<compile_context>
chip_gen: v7x
topology: tpu7x:2x2x1
jax: 0.10.2.dev20260603
libtpu: 0.0.44.dev20260713+nightly
codegen_flags: <defaults>
</compile_context>

<pallas_src>
import functools

import jax
import jax.numpy as jnp
from jax import lax
from jax.experimental import pallas as pl
from jax.experimental.pallas import tpu as pltpu
from jax.experimental.pallas import tpu_sc as plsc

N_HEAD = 16
DH = 64
D = 1024
DI = 4096
T = 256
M = 64
LM = 128
NCHUNK = 8
CI = DI // NCHUNK


def _ln(x, g, b, eps=1e-5):
    m = jnp.mean(x, axis=-1, keepdims=True)
    v = jnp.mean((x - m) ** 2, axis=-1, keepdims=True)
    return (x - m) / jnp.sqrt(v + eps) * g + b


def _dot(a, b, dims):
    return jax.lax.dot_general(a, b, dimension_numbers=(dims, ((), ())),
                               preferred_element_type=jnp.float32)


_SC_W = 16
_SC_LANES = 16


def _sc_argmax_body(memS_hbm, out_hbm, buf_v, idx_v):
    info = plsc.get_sparse_core_info()
    wid = lax.axis_index("s") * info.num_cores + lax.axis_index("c")

    @pl.when(wid < _SC_W)
    def _():
        base = wid * _SC_LANES
        pltpu.sync_copy(memS_hbm.at[wid], buf_v)
        best = buf_v[0]
        bidx = jnp.zeros((_SC_LANES,), jnp.int32)
        for j in range(1, M + 1):
            v = buf_v[j]
            better = v > best
            best = jnp.where(better, v, best)
            bidx = jnp.where(better, j, bidx)
        idx_v[...] = bidx - 1
        pltpu.sync_copy(idx_v, out_hbm.at[pl.ds(base, _SC_LANES)])


def _sc_argmax(memS):
    mesh = plsc.VectorSubcoreMesh(core_axis_name="c", subcore_axis_name="s")
    kern = functools.partial(
        pl.kernel,
        mesh=mesh,
        out_type=jax.ShapeDtypeStruct((T,), jnp.int32),
        scratch_types=[
            pltpu.VMEM((M + 1, _SC_LANES), jnp.float32),
            pltpu.VMEM((_SC_LANES,), jnp.int32),
        ],
    )(_sc_argmax_body)
    return kern(memS)


NG = 88
GS = 8
SL = NG * GS


def _prep_body(dec_ref, sC_ref, sR_ref, g0_ref, be0_ref, Wq_ref, bq_ref,
               x_ref, qpad_ref, valid_ref, gent_ref, P2_ref):
    x = _ln(dec_ref[...], g0_ref[...], be0_ref[...])
    x_ref[...] = x
    q = jnp.dot(x, Wq_ref[...],
                preferred_element_type=jnp.float32) + bq_ref[...]

    s_col = jnp.maximum(sC_ref[...], 0)
    valid_ref[...] = (sC_ref[...] >= 0).astype(jnp.float32)
    s_row = jnp.maximum(sR_ref[...], 0)

    i32 = jnp.int32

    t_col = jax.lax.broadcasted_iota(i32, (T, T), 0)
    t_row = jax.lax.broadcasted_iota(i32, (T, T), 1)
    lt = (s_row < s_col) | ((s_row == s_col) & (t_row < t_col))
    rank = jnp.sum(lt.astype(i32), axis=1, keepdims=True)
    ltT = (s_col < s_row) | ((s_col == s_row) & (t_col < t_row))
    rankT = jnp.sum(ltT.astype(i32), axis=0, keepdims=True)

    e_col = jax.lax.broadcasted_iota(i32, (M, T), 0)
    cnt_col = jnp.sum((s_row == e_col).astype(i32), axis=1, keepdims=True)
    cumx_col = jnp.sum((s_row < e_col).astype(i32), axis=1, keepdims=True)
    e_rowM = jax.lax.broadcasted_iota(i32, (T, M), 1)
    cnt_row = jnp.sum((s_col == e_rowM).astype(i32), axis=0, keepdims=True)
    cumx_row = jnp.sum((s_col < e_rowM).astype(i32), axis=0, keepdims=True)
    gpe_col = (cnt_col + (GS - 1)) // GS
    gpe_row = (cnt_row + (GS - 1)) // GS

    eA = jax.lax.broadcasted_iota(i32, (M, M), 0)
    eB = jax.lax.broadcasted_iota(i32, (M, M), 1)
    gcumx_col = jnp.sum(jnp.where(eB < eA, gpe_row, 0), axis=1,
                        keepdims=True)
    gcumi_col = gcumx_col + gpe_col
    gcumx_row = jnp.sum(jnp.where(eA < eB, gpe_col, 0), axis=0,
                        keepdims=True)
    gcumi_row = gcumx_row + gpe_row

    gR96 = jax.lax.broadcasted_iota(i32, (M, NG), 1)
    e_of_g = jnp.sum((gcumi_col <= gR96).astype(i32), axis=0, keepdims=True)
    gent_ref[...] = jnp.minimum(e_of_g, M - 1)

    iR = jax.lax.broadcasted_iota(i32, (1, SL), 1)
    gRs = iR // GS
    rrR = iR % GS
    gcumi_colS = gcumi_col
    e_colS = jax.lax.broadcasted_iota(i32, (M, SL), 0)
    e_ofR = jnp.minimum(
        jnp.sum((gcumi_colS <= gRs).astype(i32), axis=0, keepdims=True),
        M - 1)
    ohR = (e_colS == e_ofR)
    gcumx_ofR = jnp.sum(jnp.where(ohR, gcumx_col, 0), axis=0, keepdims=True)
    cumx_ofR = jnp.sum(jnp.where(ohR, cumx_col, 0), axis=0, keepdims=True)
    cnt_ofR = jnp.sum(jnp.where(ohR, cnt_col, 0), axis=0, keepdims=True)
    kR = gRs - gcumx_ofR
    posR = cumx_ofR + GS * kR + rrR
    realR = (GS * kR + rrR) < cnt_ofR

    iC = jax.lax.broadcasted_iota(i32, (SL, 1), 0)
    gCs = iC // GS
    rrC = iC % GS
    e_rowS = jax.lax.broadcasted_iota(i32, (SL, M), 1)
    e_ofC = jnp.minimum(
        jnp.sum((gcumi_row <= gCs).astype(i32), axis=1, keepdims=True),
        M - 1)
    ohC = (e_rowS == e_ofC)
    gcumx_ofC = jnp.sum(jnp.where(ohC, gcumx_row, 0), axis=1, keepdims=True)
    cumx_ofC = jnp.sum(jnp.where(ohC, cumx_row, 0), axis=1, keepdims=True)
    kC = gCs - gcumx_ofC
    posC = cumx_ofC + GS * kC + rrC

    P = (posC == rankT).astype(jnp.float32)
    qpad_ref[...] = jnp.dot(P, q, preferred_element_type=jnp.float32)
    P2_ref[...] = ((rank == posR) & realR).astype(jnp.float32)


def _prep(dec2, sC, sR, g0, be0, Wq, bq):
    return pl.pallas_call(
        _prep_body,
        out_shape=(
            jax.ShapeDtypeStruct((T, D), jnp.float32),
            jax.ShapeDtypeStruct((SL, D), jnp.float32),
            jax.ShapeDtypeStruct((T, 1), jnp.float32),
            jax.ShapeDtypeStruct((1, NG), jnp.int32),
            jax.ShapeDtypeStruct((T, SL), jnp.float32),
        ),
    )(dec2, sC, sR, g0, be0, Wq, bq)


def _mfold_body(q_ref, WkR_ref, M_ref):
    qh = q_ref[0]
    Wkh = WkR_ref[0]
    Mh = _dot(qh, Wkh, ((1,), (1,)))
    M_ref[...] = Mh.reshape(SL, 1, D // 128, 128)


def _mfold(qpadT, WkR):
    return pl.pallas_call(
        _mfold_body,
        grid=(N_HEAD,),
        in_specs=[
            pl.BlockSpec((1, SL, DH), lambda h: (h, 0, 0)),
            pl.BlockSpec((1, D, DH), lambda h: (h, 0, 0)),
        ],
        out_specs=pl.BlockSpec((SL, 1, D // 128, 128),
                               lambda h: (0, h, 0, 0)),
        out_shape=jax.ShapeDtypeStruct((SL, N_HEAD, D // 128, 128),
                                       jnp.float32),
    )(qpadT, WkR)


GH = GS * N_HEAD


def _attend_body(gent_ref, M_ref, enc_ref, tgt_ref, bias_ref, ctx_ref):
    Mg = M_ref[0].reshape(GH, D)
    enc = enc_ref[0]
    scores = _dot(Mg, enc, ((1,), (1,))) * 0.125 + bias_ref[0]
    mx = jnp.max(scores, axis=1, keepdims=True)
    e = jnp.exp(scores - mx)
    attn = e / jnp.sum(e, axis=1, keepdims=True)
    ctx = _dot(attn, tgt_ref[0], ((1,), (0,)))
    ctx_ref[0] = ctx.reshape(GH, D // 128, 128)


def _attend(gent, Mg5, enc_mem, tgt_mem, biasT):
    grid_spec = pltpu.PrefetchScalarGridSpec(
        num_scalar_prefetch=1,
        grid=(NG,),
        in_specs=[
            pl.BlockSpec((1, GH, D // 128, 128), lambda i, g: (i, 0, 0, 0)),
            pl.BlockSpec((1, LM, D), lambda i, g: (g[i], 0, 0)),
            pl.BlockSpec((1, LM, D), lambda i, g: (g[i], 0, 0)),
            pl.BlockSpec((1, 1, LM), lambda i, g: (g[i], 0, 0)),
        ],
        out_specs=pl.BlockSpec((1, GH, D // 128, 128),
                               lambda i, g: (i, 0, 0, 0)),
    )
    return pl.pallas_call(
        _attend_body,
        grid_spec=grid_spec,
        out_shape=jax.ShapeDtypeStruct((NG, GH, D // 128, 128),
                                       jnp.float32),
    )(gent, Mg5, enc_mem, tgt_mem, biasT)


def _tail_body(ctx_ref, P2_ref, Wv_ref, bv_ref, WoR_ref, x_ref, bo_ref,
               valid_ref, g1_ref, be1_ref, W1a_ref, b1a_ref, W2a_ref,
               b2a_ref, W1b_ref, b1b_ref, W2b_ref, b2b_ref, out_ref,
               accp_s, acc_s, u_s, z_s):
    g = pl.program_id(0)

    @pl.when(g == 0)
    def _():
        accp_s[...] = jnp.zeros_like(accp_s)

    @pl.when(g < N_HEAD)
    def _():
        ctx_h = ctx_ref[...].reshape(SL, D)
        st_h = _dot(ctx_h, Wv_ref[0], ((1,), (0,))) + bv_ref[0]
        accp_s[...] += _dot(st_h, WoR_ref[0], ((1,), (0,)))

    @pl.when(g == N_HEAD - 1)
    def _():
        u_s[...] = (jnp.dot(P2_ref[...], accp_s[...],
                            preferred_element_type=jnp.float32)
                    + bo_ref[...] + x_ref[...])
        acc_s[...] = jnp.zeros_like(acc_s)

    @pl.when((g >= N_HEAD) & (g < N_HEAD + NCHUNK))
    def _():
        h = jnp.maximum(
            jnp.dot(u_s[...], W1a_ref[...],
                    preferred_element_type=jnp.float32) + b1a_ref[...], 0.0)
        acc_s[...] += jnp.dot(h, W2a_ref[...],
                              preferred_element_type=jnp.float32)

    @pl.when(g == N_HEAD + NCHUNK - 1)
    def _():
        v = acc_s[...] + b2a_ref[...] + u_s[...]
        w = _ln(v, g1_ref[...], be1_ref[...]) * valid_ref[...]
        z_s[...] = x_ref[...] + w
        acc_s[...] = jnp.zeros_like(acc_s)

    @pl.when(g >= N_HEAD + NCHUNK)
    def _():
        h = jnp.maximum(
            jnp.dot(z_s[...], W1b_ref[...],
                    preferred_element_type=jnp.float32) + b1b_ref[...], 0.0)
        acc_s[...] += jnp.dot(h, W2b_ref[...],
                              preferred_element_type=jnp.float32)

    @pl.when(g == N_HEAD + 2 * NCHUNK - 1)
    def _():
        out_ref[...] = acc_s[...] + b2b_ref[...] + z_s[...]


def _tail(ctx4, P2, Wv4, bv4, WoR, x, bo, valid, g1, be1,
          W1a, b1a, W2a, b2a, W1b, b1b, W2b, b2b):
    hidx = lambda g: jnp.minimum(g, N_HEAD - 1)
    aidx = lambda g: jnp.clip(g - N_HEAD, 0, NCHUNK - 1)
    bidx = lambda g: jnp.clip(g - N_HEAD - NCHUNK, 0, NCHUNK - 1)
    return pl.pallas_call(
        _tail_body,
        grid=(N_HEAD + 2 * NCHUNK,),
        in_specs=[
            pl.BlockSpec((SL, 1, D // 128, 128),
                         lambda g: (0, hidx(g), 0, 0)),
            pl.BlockSpec((T, SL), lambda g: (0, 0)),
            pl.BlockSpec((1, D, DH), lambda g: (hidx(g), 0, 0)),
            pl.BlockSpec((1, 1, DH), lambda g: (hidx(g), 0, 0)),
            pl.BlockSpec((1, DH, D), lambda g: (hidx(g), 0, 0)),
            pl.BlockSpec((T, D), lambda g: (0, 0)),
            pl.BlockSpec((1, D), lambda g: (0, 0)),
            pl.BlockSpec((T, 1), lambda g: (0, 0)),
            pl.BlockSpec((1, D), lambda g: (0, 0)),
            pl.BlockSpec((1, D), lambda g: (0, 0)),
            pl.BlockSpec((D, CI), lambda g: (0, aidx(g))),
            pl.BlockSpec((1, CI), lambda g: (0, aidx(g))),
            pl.BlockSpec((CI, D), lambda g: (aidx(g), 0)),
            pl.BlockSpec((1, D), lambda g: (0, 0)),
            pl.BlockSpec((D, CI), lambda g: (0, bidx(g))),
            pl.BlockSpec((1, CI), lambda g: (0, bidx(g))),
            pl.BlockSpec((CI, D), lambda g: (bidx(g), 0)),
            pl.BlockSpec((1, D), lambda g: (0, 0)),
        ],
        out_specs=pl.BlockSpec((T, D), lambda g: (0, 0)),
        out_shape=jax.ShapeDtypeStruct((T, D), jnp.float32),
        scratch_shapes=[
            pltpu.VMEM((SL, D), jnp.float32),
            pltpu.VMEM((T, D), jnp.float32),
            pltpu.VMEM((T, D), jnp.float32),
            pltpu.VMEM((T, D), jnp.float32),
        ],
    )(ctx4, P2, Wv4, bv4, WoR, x, bo, valid, g1, be1,
      W1a, b1a, W2a, b2a, W1b, b1b, W2b, b2b)


def kernel(dec_output, tgt_mask, mem_attn_out, enc_out_mem, tgt_emb_mem,
           tgt_mask_mem, Wq, bq, Wk, bk, Wv, bv, Wo, bo, g0, be0, g1, be1,
           W1a, b1a, W2a, b2a, W1b, b1b, W2b, b2b):
    b, l_tar, d = dec_output.shape

    dec2 = dec_output.reshape(T, D)
    memS = (mem_attn_out.reshape(T, M + 1).T
            .reshape(M + 1, _SC_W, _SC_LANES).transpose(1, 0, 2))
    row = lambda v: v.reshape(1, -1)

    samples = _sc_argmax(memS)
    x, qpad, valid, gent, P2 = _prep(dec2, samples.reshape(T, 1),
                                     samples.reshape(1, T), row(g0),
                                     row(be0), Wq, row(bq))

    qpadT = qpad.reshape(SL, N_HEAD, DH).transpose(1, 0, 2)
    WkR = Wk.reshape(D, N_HEAD, DH).transpose(1, 0, 2)
    Mpad = _mfold(qpadT, WkR)
    Mg5 = Mpad.reshape(NG, GH, D // 128, 128)

    biasT = jnp.where(tgt_mask_mem, 0.0, -1e9).astype(jnp.float32)[:, None, :]
    ctxg = _attend(gent.reshape(NG), Mg5, enc_out_mem, tgt_emb_mem, biasT)
    ctx4 = ctxg.reshape(SL, N_HEAD, D // 128, 128)

    WvR = Wv.reshape(D, N_HEAD, DH).transpose(1, 0, 2)
    WoR = Wo.reshape(N_HEAD, DH, D)
    out = _tail(ctx4, P2, WvR,
                bv.reshape(N_HEAD, 1, DH), WoR, x, row(bo),
                valid, row(g1), row(be1), W1a, row(b1a), W2a, row(b2a),
                W1b, row(b1b), W2b, row(b2b))
    return out.reshape(b, l_tar, d)

# --- scband reference (transcript-rebuilt; emitter-appended) ---
"""Pipeline reference for scband-attention-memory-entry-19662360281800 (READ-ONLY COPY).

The authoritative reference and input builder live on the scoring server;
editing this copy changes nothing except your own understanding.
"""

import jax, jax.numpy as jnp
import numpy as np

N_HEAD = 16
D_MODEL = 1024
D_INNER = 4096
B, L_TAR, M_MEM, L_MEM = 4, 64, 64, 128


def _layer_norm(x, g, b, eps=1e-5):
    m = jnp.mean(x, axis=-1, keepdims=True)
    v = jnp.var(x, axis=-1, keepdims=True)
    return (x - m) / jnp.sqrt(v + eps) * g + b


def _mha(query, key, value, mask, Wq, bq, Wk, bk, Wv, bv, Wo, bo):
    n, lq, d = query.shape
    lk = key.shape[1]
    dh = d // N_HEAD
    q = (query @ Wq + bq).reshape(n, lq, N_HEAD, dh).transpose(0, 2, 1, 3)
    k = (key @ Wk + bk).reshape(n, lk, N_HEAD, dh).transpose(0, 2, 1, 3)
    v = (value @ Wv + bv).reshape(n, lk, N_HEAD, dh).transpose(0, 2, 1, 3)
    scores = q @ k.transpose(0, 1, 3, 2) / jnp.sqrt(jnp.float32(dh))
    scores = jnp.where(mask[:, None, :, :], jnp.float32(-1e9), scores)
    attn = jax.nn.softmax(scores, axis=-1)
    out = (attn @ v).transpose(0, 2, 1, 3).reshape(n, lq, d)
    out = out @ Wo + bo
    return out + query, attn


def _ffn(x, W1, b1, W2, b2):
    return jax.nn.relu(x @ W1 + b1) @ W2 + b2 + x


def setup_inputs(seed: int = 0):
    key = jax.random.key(seed)
    ks = jax.random.split(key, 16)
    d = D_MODEL
    inp = {}
    inp['dec_output'] = jax.random.normal(ks[0], (B, L_TAR, d), dtype=jnp.float32)
    inp['tgt_mask'] = jnp.ones((B, L_TAR), dtype=bool)
    inp['mem_attn_out'] = jax.random.normal(ks[1], (B, L_TAR, M_MEM + 1), dtype=jnp.float32)
    inp['enc_out_mem'] = jax.random.normal(ks[2], (M_MEM, L_MEM, d), dtype=jnp.float32)
    inp['tgt_emb_mem'] = jax.random.normal(ks[3], (M_MEM, L_MEM, d), dtype=jnp.float32)
    tmm = jax.random.randint(ks[4], (M_MEM, L_MEM), 0, 2).astype(bool)
    inp['tgt_mask_mem'] = tmm.at[:, 0].set(True)
    def w(k, shape):
        return 0.02 * jax.random.normal(k, shape, dtype=jnp.float32)
    inp['Wq'] = w(ks[5], (d, d)); inp['bq'] = jnp.zeros((d,), jnp.float32)
    inp['Wk'] = w(ks[6], (d, d)); inp['bk'] = jnp.zeros((d,), jnp.float32)
    inp['Wv'] = w(ks[7], (d, d)); inp['bv'] = jnp.zeros((d,), jnp.float32)
    inp['Wo'] = w(ks[8], (d, d)); inp['bo'] = jnp.zeros((d,), jnp.float32)
    inp['g0'] = jnp.ones((d,), jnp.float32); inp['be0'] = jnp.zeros((d,), jnp.float32)
    inp['g1'] = jnp.ones((d,), jnp.float32); inp['be1'] = jnp.zeros((d,), jnp.float32)
    inp['W1a'] = w(ks[9], (d, D_INNER)); inp['b1a'] = jnp.zeros((D_INNER,), jnp.float32)
    inp['W2a'] = w(ks[10], (D_INNER, d)); inp['b2a'] = jnp.zeros((d,), jnp.float32)
    inp['W1b'] = w(ks[11], (d, D_INNER)); inp['b1b'] = jnp.zeros((D_INNER,), jnp.float32)
    inp['W2b'] = w(ks[12], (D_INNER, d)); inp['b2b'] = jnp.zeros((d,), jnp.float32)
    return inp


def reference(dec_output, tgt_mask, mem_attn_out, enc_out_mem, tgt_emb_mem, tgt_mask_mem, Wq, bq, Wk, bk, Wv, bv, Wo, bo, g0, be0, g1, be1, W1a, b1a, W2a, b2a, W1b, b1b, W2b, b2b):
    b, l_tar, d = dec_output.shape
    dec_output = _layer_norm(dec_output, g0, be0)
    samples = jnp.argmax(mem_attn_out, axis=-1) - 1
    flat = samples.reshape(-1)
    valid = flat != -1
    s_safe = jnp.maximum(flat, 0)
    query = dec_output.reshape(b * l_tar, 1, d)
    keys = enc_out_mem[s_safe]
    vals = tgt_emb_mem[s_safe]
    pad = jnp.logical_not(tgt_mask_mem[s_safe])[:, None, :]
    st_attn, _ = _mha(query, keys, vals, pad, Wq, bq, Wk, bk, Wv, bv, Wo, bo)
    st_attn = _ffn(st_attn, W1a, b1a, W2a, b2a)
    st_attn = _layer_norm(st_attn, g1, be1)
    st = jnp.where(valid[:, None, None], st_attn, jnp.zeros_like(st_attn)).reshape(b, l_tar, d)
    dec_output = dec_output + st
    dec_output = _ffn(dec_output, W1b, b1b, W2b, b2b)
    return dec_output

if __name__ == "__main__":
    import jax
    _d = setup_inputs()
    print(jax.jit(kernel)(*tuple(_d.values())))

</pallas_src>

<mosaic_0001>
#map = affine_map<(d0, d1) -> (0, 0, 0)>
#map1 = affine_map<(d0, d1) -> (0)>
module attributes {stable_mosaic.version = 14 : i64} {
  func.func @_sc_argmax_body(%arg0: i32, %arg1: i32, %arg2: memref<16x65x16xf32, #tpu.memory_space<hbm>>, %arg3: memref<256xi32, #tpu.memory_space<hbm>>, %arg4: memref<65x16xf32, #tpu.memory_space<vmem>>, %arg5: memref<16xi32, #tpu.memory_space<vmem>>) attributes {dimension_semantics = [#tpu.dimension_semantics<core_parallel>, #tpu.dimension_semantics<subcore_parallel>], iteration_bounds = array<i64: 2, 16>, scalar_prefetch = 0 : i64, scratch_operands = 2 : i64, tpu.core_type = #tpu.core_type<sc_vector_subcore>, window_params = [{transform_indices = #map}, {transform_indices = #map1}]} {
    %mul3A = arith.constant 2 : i32
    %mul3A_0 = arith.muli %arg1, %mul3A : i32
    %add3A = arith.addi %mul3A_0, %arg0 : i32
    %lt3A = arith.constant 16 : i32
    %lt3A_1 = arith.cmpi slt, %add3A, %lt3A : i32
    %convert_element_type3A = arith.extui %lt3A_1 : i1 to i32
    %cond3A = arith.constant 0 : i32
    %cond3A_2 = arith.cmpi ne, %convert_element_type3A, %cond3A : i32
    scf.if %cond3A_2 {
      %mul3A_3 = arith.constant 16 : i32
      %mul3A_4 = arith.muli %add3A, %mul3A_3 : i32
      "tpu.region"() ({
        %run_scoped3A = tpu.sem_alloc : memref<!tpu.dma_semaphore, #tpu.memory_space<semaphore_mem>>
        %dma_start3A = arith.constant 0 : i32
        %dma_start3A_652 = arith.constant 0 : i32
        %dma_start3A_653 = tpu.memref_slice %arg2[%add3A, %dma_start3A, %dma_start3A_652] : memref<16x65x16xf32, #tpu.memory_space<hbm>> -> memref<1x65x16xf32, #tpu.memory_space<hbm>>
        %dma_start3A_654 = tpu.memref_squeeze %dma_start3A_653 : memref<1x65x16xf32, #tpu.memory_space<hbm>> -> memref<65x16xf32, #tpu.memory_space<hbm>>
        %dma_start3A_655 = arith.constant 0 : i32
        %dma_start3A_656 = arith.constant 0 : i32
        %dma_start3A_657 = tpu.memref_slice %arg2[%add3A, %dma_start3A_655, %dma_start3A_656] : memref<16x65x16xf32, #tpu.memory_space<hbm>> -> memref<1x65x16xf32, #tpu.memory_space<hbm>>
        %dma_start3A_658 = tpu.memref_squeeze %dma_start3A_657 : memref<1x65x16xf32, #tpu.memory_space<hbm>> -> memref<65x16xf32, #tpu.memory_space<hbm>>
        tpu.enqueue_dma source(%dma_start3A_658 : memref<65x16xf32, #tpu.memory_space<hbm>>) target(%arg4 : memref<65x16xf32, #tpu.memory_space<vmem>>) target_semaphore(%run_scoped3A : memref<!tpu.dma_semaphore, #tpu.memory_space<semaphore_mem>>)
        %dma_wait3A = arith.constant 0 : i32
        %dma_wait3A_659 = arith.constant 0 : i32
        %dma_wait3A_660 = tpu.memref_slice %arg2[%add3A, %dma_wait3A, %dma_wait3A_659] : memref<16x65x16xf32, #tpu.memory_space<hbm>> -> memref<1x65x16xf32, #tpu.memory_space<hbm>>
        %dma_wait3A_661 = tpu.memref_squeeze %dma_wait3A_660 : memref<1x65x16xf32, #tpu.memory_space<hbm>> -> memref<65x16xf32, #tpu.memory_space<hbm>>
        %dma_wait3A_662 = arith.constant 0 : i32
        %dma_wait3A_663 = arith.constant 0 : i32
        %dma_wait3A_664 = tpu.memref_slice %arg2[%add3A, %dma_wait3A_662, %dma_wait3A_663] : memref<16x65x16xf32, #tpu.memory_space<hbm>> -> memref<1x65x16xf32, #tpu.memory_space<hbm>>
        %dma_wait3A_665 = tpu.memref_squeeze %dma_wait3A_664 : memref<1x65x16xf32, #tpu.memory_space<hbm>> -> memref<65x16xf32, #tpu.memory_space<hbm>>
        tpu.wait_dma2 semaphore(%run_scoped3A : memref<!tpu.dma_semaphore, #tpu.memory_space<semaphore_mem>>) src(%dma_wait3A_665 : memref<65x16xf32, #tpu.memory_space<hbm>>) dst(%arg4 : memref<65x16xf32, #tpu.memory_space<vmem>>)
        tpu.yield
      }) : () -> ()
      %get3A = arith.constant 0 : i32
      %get3A_5 = arith.index_cast %get3A : i32 to index
      %get3A_6 = arith.constant 0 : index
      %get3A_7 = tpu.vector_load %arg4[%get3A_5, %get3A_6] {strides = array<i32>} : memref<65x16xf32, #tpu.memory_space<vmem>>, vector<1x16xf32>,
      %get3A_8 = vector.shape_cast %get3A_7 : vector<1x16xf32> to vector<16xf32>
      %broadcast_in_dim3A = arith.constant 0 : i32
      %broadcast_in_dim3A_9 = vector.broadcast %broadcast_in_dim3A : i32 to vector<16xi32>
      %get3A_10 = arith.constant 1 : i32
      %get3A_11 = arith.index_cast %get3A_10 : i32 to index
      %get3A_12 = arith.constant 0 : index
      %get3A_13 = tpu.vector_load %arg4[%get3A_11, %get3A_12] {strides = array<i32>} : memref<65x16xf32, #tpu.memory_space<vmem>>, vector<1x16xf32>,
      %get3A_14 = vector.shape_cast %get3A_13 : vector<1x16xf32> to vector<16xf32>
      %gt3A = arith.cmpf ogt, %get3A_14, %get3A_8 : vector<16xf32>
      %select_n3A = arith.select %gt3A, %get3A_14, %get3A_8 : vector<16xi1>, vector<16xf32>
      %jit3A = arith.constant 1 : i32
      %broadcast_in_dim3A_15 = vector.broadcast %jit3A : i32 to vector<16xi32>
      %select_n3A_16 = arith.select %gt3A, %broadcast_in_dim3A_15, %broadcast_in_dim3A_9 : vector<16xi1>, vector<16xi32>
      %get3A_17 = arith.constant 2 : i32
      %get3A_18 = arith.index_cast %get3A_17 : i32 to index
      %get3A_19 = arith.constant 0 : index
      %get3A_20 = tpu.vector_load %arg4[%get3A_18, %get3A_19] {strides = array<i32>} : memref<65x16xf32, #tpu.memory_space<vmem>>, vector<1x16xf32>,
      %get3A_21 = vector.shape_cast %get3A_20 : vector<1x16xf32> to vector<16xf32>
      %gt3A_22 = arith.cmpf ogt, %get3A_21, %select_n3A : vector<16xf32>
      %select_n3A_23 = arith.select %gt3A_22, %get3A_21, %select_n3A : vector<16xi1>, vector<16xf32>
      %jit3A_24 = arith.constant 2 : i32
      %broadcast_in_dim3A_25 = vector.broadcast %jit3A_24 : i32 to vector<16xi32>
      %select_n3A_26 = arith.select %gt3A_22, %broadcast_in_dim3A_25, %select_n3A_16 : vector<16xi1>, vector<16xi32>
      %get3A_27 = arith.constant 3 : i32
      %get3A_28 = arith.index_cast %get3A_27 : i32 to index
      %get3A_29 = arith.constant 0 : index
      %get3A_30 = tpu.vector_load %arg4[%get3A_28, %get3A_29] {strides = array<i32>} : memref<65x16xf32, #tpu.memory_space<vmem>>, vector<1x16xf32>,
      %get3A_31 = vector.shape_cast %get3A_30 : vector<1x16xf32> to vector<16xf32>
      %gt3A_32 = arith.cmpf ogt, %get3A_31, %select_n3A_23 : vector<16xf32>
      %select_n3A_33 = arith.select %gt3A_32, %get3A_31, %select_n3A_23 : vector<16xi1>, vector<16xf32>
      %jit3A_34 = arith.constant 3 : i32
      %broadcast_in_dim3A_35 = vector.broadcast %jit3A_34 : i32 to vector<16xi32>
      %select_n3A_36 = arith.select %gt3A_32, %broadcast_in_dim3A_35, %select_n3A_26 : vector<16xi1>, vector<16xi32>
      %get3A_37 = arith.constant 4 : i32
      %get3A_38 = arith.index_cast %get3A_37 : i32 to index
      %get3A_39 = arith.constant 0 : index
      %get3A_40 = tpu.vector_load %arg4[%get3A_38, %get3A_39] {strides = array<i32>} : memref<65x16xf32, #tpu.memory_space<vmem>>, vector<1x16xf32>,
      %get3A_41 = vector.shape_cast %get3A_40 : vector<1x16xf32> to vector<16xf32>
      %gt3A_42 = arith.cmpf ogt, %get3A_41, %select_n3A_33 : vector<16xf32>
      %select_n3A_43 = arith.select %gt3A_42, %get3A_41, %select_n3A_33 : vector<16xi1>, vector<16xf32>
      %jit3A_44 = arith.constant 4 : i32
      %broadcast_in_dim3A_45 = vector.broadcast %jit3A_44 : i32 to vector<16xi32>
      %select_n3A_46 = arith.select %gt3A_42, %broadcast_in_dim3A_45, %select_n3A_36 : vector<16xi1>, vector<16xi32>
      %get3A_47 = arith.constant 5 : i32
      %get3A_48 = arith.index_cast %get3A_47 : i32 to index
      %get3A_49 = arith.constant 0 : index
      %get3A_50 = tpu.vector_load %arg4[%get3A_48, %get3A_49] {strides = array<i32>} : memref<65x16xf32, #tpu.memory_space<vmem>>, vector<1x16xf32>,
      %get3A_51 = vector.shape_cast %get3A_50 : vector<1x16xf32> to vector<16xf32>
      %gt3A_52 = arith.cmpf ogt, %get3A_51, %select_n3A_43 : vector<16xf32>
      %select_n3A_53 = arith.select %gt3A_52, %get3A_51, %select_n3A_43 : vector<16xi1>, vector<16xf32>
      %jit3A_54 = arith.constant 5 : i32
      %broadcast_in_dim3A_55 = vector.broadcast %jit3A_54 : i32 to vector<16xi32>
      %select_n3A_56 = arith.select %gt3A_52, %broadcast_in_dim3A_55, %select_n3A_46 : vector<16xi1>, vector<16xi32>
      %get3A_57 = arith.constant 6 : i32
      %get3A_58 = arith.index_cast %get3A_57 : i32 to index
      %get3A_59 = arith.constant 0 : index
      %get3A_60 = tpu.vector_load %arg4[%get3A_58, %get3A_59] {strides = array<i32>} : memref<65x16xf32, #tpu.memory_space<vmem>>, vector<1x16xf32>,
      %get3A_61 = vector.shape_cast %get3A_60 : vector<1x16xf32> to vector<16xf32>
      %gt3A_62 = arith.cmpf ogt, %get3A_61, %select_n3A_53 : vector<16xf32>
      %select_n3A_63 = arith.select %gt3A_62, %get3A_61, %select_n3A_53 : vector<16xi1>, vector<16xf32>
      %jit3A_64 = arith.constant 6 : i32
      %broadcast_in_dim3A_65 = vector.broadcast %jit3A_64 : i32 to vector<16xi32>
      %select_n3A_66 = arith.select %gt3A_62, %broadcast_in_dim3A_65, %select_n3A_56 : vector<16xi1>, vector<16xi32>
      %get3A_67 = arith.constant 7 : i32
      %get3A_68 = arith.index_cast %get3A_67 : i32 to index
      %get3A_69 = arith.constant 0 : index
      %get3A_70 = tpu.vector_load %arg4[%get3A_68, %get3A_69] {strides = array<i32>} : memref<65x16xf32, #tpu.memory_space<vmem>>, vector<1x16xf32>,
      %get3A_71 = vector.shape_cast %get3A_70 : vector<1x16xf32> to vector<16xf32>
      %gt3A_72 = arith.cmpf ogt, %get3A_71, %select_n3A_63 : vector<16xf32>
      %select_n3A_73 = arith.select %gt3A_72, %get3A_71, %select_n3A_63 : vector<16xi1>, vector<16xf32>
      %jit3A_74 = arith.constant 7 : i32
      %broadcast_in_dim3A_75 = vector.broadcast %jit3A_74 : i32 to vector<16xi32>
      %select_n3A_76 = arith.select %gt3A_72, %broadcast_in_dim3A_75, %select_n3A_66 : vector<16xi1>, vector<16xi32>
      %get3A_77 = arith.constant 8 : i32
      %get3A_78 = arith.index_cast %get3A_77 : i32 to index
      %get3A_79 = arith.constant 0 : index
      %get3A_80 = tpu.vector_load %arg4[%get3A_78, %get3A_79] {strides = array<i32>} : memref<65x16xf32, #tpu.memory_space<vmem>>, vector<1x16xf32>,
      %get3A_81 = vector.shape_cast %get3A_80 : vector<1x16xf32> to vector<16xf32>
      %gt3A_82 = arith.cmpf ogt, %get3A_81, %select_n3A_73 : vector<16xf32>
      %select_n3A_83 = arith.select %gt3A_82, %get3A_81, %select_n3A_73 : vector<16xi1>, vector<16xf32>
      %jit3A_84 = arith.constant 8 : i32
      %broadcast_in_dim3A_85 = vector.broadcast %jit3A_84 : i32 to vector<16xi32>
      %select_n3A_86 = arith.select %gt3A_82, %broadcast_in_dim3A_85, %select_n3A_76 : vector<16xi1>, vector<16xi32>
      %get3A_87 = arith.constant 9 : i32
      %get3A_88 = arith.index_cast %get3A_87 : i32 to index
      %get3A_89 = arith.constant 0 : index
      %get3A_90 = tpu.vector_load %arg4[%get3A_88, %get3A_89] {strides = array<i32>} : memref<65x16xf32, #tpu.memory_space<vmem>>, vector<1x16xf32>,
      %get3A_91 = vector.shape_cast %get3A_90 : vector<1x16xf32> to vector<16xf32>
      %gt3A_92 = arith.cmpf ogt, %get3A_91, %select_n3A_83 : vector<16xf32>
      %select_n3A_93 = arith.select %gt3A_92, %get3A_91, %select_n3A_83 : vector<16xi1>, vector<16xf32>
      %jit3A_94 = arith.constant 9 : i32
      %broadcast_in_dim3A_95 = vector.broadcast %jit3A_94 : i32 to vector<16xi32>
      %select_n3A_96 = arith.select %gt3A_92, %broadcast_in_dim3A_95, %select_n3A_86 : vector<16xi1>, vector<16xi32>
      %get3A_97 = arith.constant 10 : i32
      %get3A_98 = arith.index_cast %get3A_97 : i32 to index
      %get3A_99 = arith.constant 0 : index
      %get3A_100 = tpu.vector_load %arg4[%get3A_98, %get3A_99] {strides = array<i32>} : memref<65x16xf32, #tpu.memory_space<vmem>>, vector<1x16xf32>,
      %get3A_101 = vector.shape_cast %get3A_100 : vector<1x16xf32> to vector<16xf32>
      %gt3A_102 = arith.cmpf ogt, %get3A_101, %select_n3A_93 : vector<16xf32>
      %select_n3A_103 = arith.select %gt3A_102, %get3A_101, %select_n3A_93 : vector<16xi1>, vector<16xf32>
      %jit3A_104 = arith.constant 10 : i32
      %broadcast_in_dim3A_105 = vector.broadcast %jit3A_104 : i32 to vector<16xi32>
      %select_n3A_106 = arith.select %gt3A_102, %broadcast_in_dim3A_105, %select_n3A_96 : vector<16xi1>, vector<16xi32>
      %get3A_107 = arith.constant 11 : i32
      %get3A_108 = arith.index_cast %get3A_107 : i32 to index
      %get3A_109 = arith.constant 0 : index
      %get3A_110 = tpu.vector_load %arg4[%get3A_108, %get3A_109] {strides = array<i32>} : memref<65x16xf32, #tpu.memory_space<vmem>>, vector<1x16xf32>,
      %get3A_111 = vector.shape_cast %get3A_110 : vector<1x16xf32> to vector<16xf32>
      %gt3A_112 = arith.cmpf ogt, %get3A_111, %select_n3A_103 : vector<16xf32>
      %select_n3A_113 = arith.select %gt3A_112, %get3A_111, %select_n3A_103 : vector<16xi1>, vector<16xf32>
      %jit3A_114 = arith.constant 11 : i32
      %broadcast_in_dim3A_115 = vector.broadcast %jit3A_114 : i32 to vector<16xi32>
      %select_n3A_116 = arith.select %gt3A_112, %broadcast_in_dim3A_115, %select_n3A_106 : vector<16xi1>, vector<16xi32>
      %get3A_117 = arith.constant 12 : i32
      %get3A_118 = arith.index_cast %get3A_117 : i32 to index
      %get3A_119 = arith.constant 0 : index
      %get3A_120 = tpu.vector_load %arg4[%get3A_118, %get3A_119] {strides = array<i32>} : memref<65x16xf32, #tpu.memory_space<vmem>>, vector<1x16xf32>,
      %get3A_121 = vector.shape_cast %get3A_120 : vector<1x16xf32> to vector<16xf32>
      %gt3A_122 = arith.cmpf ogt, %get3A_121, %select_n3A_113 : vector<16xf32>
      %select_n3A_123 = arith.select %gt3A_122, %get3A_121, %select_n3A_113 : vector<16xi1>, vector<16xf32>
      %jit3A_124 = arith.constant 12 : i32
      %broadcast_in_dim3A_125 = vector.broadcast %jit3A_124 : i32 to vector<16xi32>
      %select_n3A_126 = arith.select %gt3A_122, %broadcast_in_dim3A_125, %select_n3A_116 : vector<16xi1>, vector<16xi32>
      %get3A_127 = arith.constant 13 : i32
      %get3A_128 = arith.index_cast %get3A_127 : i32 to index
      %get3A_129 = arith.constant 0 : index
      %get3A_130 = tpu.vector_load %arg4[%get3A_128, %get3A_129] {strides = array<i32>} : memref<65x16xf32, #tpu.memory_space<vmem>>, vector<1x16xf32>,
      %get3A_131 = vector.shape_cast %get3A_130 : vector<1x16xf32> to vector<16xf32>
      %gt3A_132 = arith.cmpf ogt, %get3A_131, %select_n3A_123 : vector<16xf32>
      %select_n3A_133 = arith.select %gt3A_132, %get3A_131, %select_n3A_123 : vector<16xi1>, vector<16xf32>
      %jit3A_134 = arith.constant 13 : i32
      %broadcast_in_dim3A_135 = vector.broadcast %jit3A_134 : i32 to vector<16xi32>
      %select_n3A_136 = arith.select %gt3A_132, %broadcast_in_dim3A_135, %select_n3A_126 : vector<16xi1>, vector<16xi32>
      %get3A_137 = arith.constant 14 : i32
      %get3A_138 = arith.index_cast %get3A_137 : i32 to index
      %get3A_139 = arith.constant 0 : index
      %get3A_140 = tpu.vector_load %arg4[%get3A_138, %get3A_139] {strides = array<i32>} : memref<65x16xf32, #tpu.memory_space<vmem>>, vector<1x16xf32>,
      %get3A_141 = vector.shape_cast %get3A_140 : vector<1x16xf32> to vector<16xf32>
      %gt3A_142 = arith.cmpf ogt, %get3A_141, %select_n3A_133 : vector<16xf32>
      %select_n3A_143 = arith.select %gt3A_142, %get3A_141, %select_n3A_133 : vector<16xi1>, vector<16xf32>
      %jit3A_144 = arith.constant 14 : i32
      %broadcast_in_dim3A_145 = vector.broadcast %jit3A_144 : i32 to vector<16xi32>
      %select_n3A_146 = arith.select %gt3A_142, %broadcast_in_dim3A_145, %select_n3A_136 : vector<16xi1>, vector<16xi32>
      %get3A_147 = arith.constant 15 : i32
      %get3A_148 = arith.index_cast %get3A_147 : i32 to index
      %get3A_149 = arith.constant 0 : index
      %get3A_150 = tpu.vector_load %arg4[%get3A_148, %get3A_149] {strides = array<i32>} : memref<65x16xf32, #tpu.memory_space<vmem>>, vector<1x16xf32>,
      %get3A_151 = vector.shape_cast %get3A_150 : vector<1x16xf32> to vector<16xf32>
      %gt3A_152 = arith.cmpf ogt, %get3A_151, %select_n3A_143 : vector<16xf32>
      %select_n3A_153 = arith.select %gt3A_152, %get3A_151, %select_n3A_143 : vector<16xi1>, vector<16xf32>
      %jit3A_154 = arith.constant 15 : i32
      %broadcast_in_dim3A_155 = vector.broadcast %jit3A_154 : i32 to vector<16xi32>
      %select_n3A_156 = arith.select %gt3A_152, %broadcast_in_dim3A_155, %select_n3A_146 : vector<16xi1>, vector<16xi32>
      %get3A_157 = arith.constant 16 : i32
      %get3A_158 = arith.index_cast %get3A_157 : i32 to index
      %get3A_159 = arith.constant 0 : index
      %get3A_160 = tpu.vector_load %arg4[%get3A_158, %get3A_159] {strides = array<i32>} : memref<65x16xf32, #tpu.memory_space<vmem>>, vector<1x16xf32>,
      %get3A_161 = vector.shape_cast %get3A_160 : vector<1x16xf32> to vector<16xf32>
      %gt3A_162 = arith.cmpf ogt, %get3A_161, %select_n3A_153 : vector<16xf32>
      %select_n3A_163 = arith.select %gt3A_162, %get3A_161, %select_n3A_153 : vector<16xi1>, vector<16xf32>
      %jit3A_164 = arith.constant 16 : i32
      %broadcast_in_dim3A_165 = vector.broadcast %jit3A_164 : i32 to vector<16xi32>
      %select_n3A_166 = arith.select %gt3A_162, %broadcast_in_dim3A_165, %select_n3A_156 : vector<16xi1>, vector<16xi32>
      %get3A_167 = arith.constant 17 : i32
      %get3A_168 = arith.index_cast %get3A_167 : i32 to index
      %get3A_169 = arith.constant 0 : index
      %get3A_170 = tpu.vector_load %arg4[%get3A_168, %get3A_169] {strides = array<i32>} : memref<65x16xf32, #tpu.memory_space<vmem>>, vector<1x16xf32>,
      %get3A_171 = vector.shape_cast %get3A_170 : vector<1x16xf32> to vector<16xf32>
      %gt3A_172 = arith.cmpf ogt, %get3A_171, %select_n3A_163 : vector<16xf32>
      %select_n3A_173 = arith.select %gt3A_172, %get3A_171, %select_n3A_163 : vector<16xi1>, vector<16xf32>
      %jit3A_174 = arith.constant 17 : i32
      %broadcast_in_dim3A_175 = vector.broadcast %jit3A_174 : i32 to vector<16xi32>
      %select_n3A_176 = arith.select %gt3A_172, %broadcast_in_dim3A_175, %select_n3A_166 : vector<16xi1>, vector<16xi32>
      %get3A_177 = arith.constant 18 : i32
      %get3A_178 = arith.index_cast %get3A_177 : i32 to index
      %get3A_179 = arith.constant 0 : index
      %get3A_180 = tpu.vector_load %arg4[%get3A_178, %get3A_179] {strides = array<i32>} : memref<65x16xf32, #tpu.memory_space<vmem>>, vector<1x16xf32>,
      %get3A_181 = vector.shape_cast %get3A_180 : vector<1x16xf32> to vector<16xf32>
      %gt3A_182 = arith.cmpf ogt, %get3A_181, %select_n3A_173 : vector<16xf32>
      %select_n3A_183 = arith.select %gt3A_182, %get3A_181, %select_n3A_173 : vector<16xi1>, vector<16xf32>
      %jit3A_184 = arith.constant 18 : i32
      %broadcast_in_dim3A_185 = vector.broadcast %jit3A_184 : i32 to vector<16xi32>
      %select_n3A_186 = arith.select %gt3A_182, %broadcast_in_dim3A_185, %select_n3A_176 : vector<16xi1>, vector<16xi32>
      %get3A_187 = arith.constant 19 : i32
      %get3A_188 = arith.index_cast %get3A_187 : i32 to index
      %get3A_189 = arith.constant 0 : index
      %get3A_190 = tpu.vector_load %arg4[%get3A_188, %get3A_189] {strides = array<i32>} : memref<65x16xf32, #tpu.memory_space<vmem>>, vector<1x16xf32>,
      %get3A_191 = vector.shape_cast %get3A_190 : vector<1x16xf32> to vector<16xf32>
      %gt3A_192 = arith.cmpf ogt, %get3A_191, %select_n3A_183 : vector<16xf32>
      %select_n3A_193 = arith.select %gt3A_192, %get3A_191, %select_n3A_183 : vector<16xi1>, vector<16xf32>
      %jit3A_194 = arith.constant 19 : i32
      %broadcast_in_dim3A_195 = vector.broadcast %jit3A_194 : i32 to vector<16xi32>
      %select_n3A_196 = arith.select %gt3A_192, %broadcast_in_dim3A_195, %select_n3A_186 : vector<16xi1>, vector<16xi32>
      %get3A_197 = arith.constant 20 : i32
      %get3A_198 = arith.index_cast %get3A_197 : i32 to index
      %get3A_199 = arith.constant 0 : index
      %get3A_200 = tpu.vector_load %arg4[%get3A_198, %get3A_199] {strides = array<i32>} : memref<65x16xf32, #tpu.memory_space<vmem>>, vector<1x16xf32>,
      %get3A_201 = vector.shape_cast %get3A_200 : vector<1x16xf32> to vector<16xf32>
      %gt3A_202 = arith.cmpf ogt, %get3A_201, %select_n3A_193 : vector<16xf32>
      %select_n3A_203 = arith.select %gt3A_202, %get3A_201, %select_n3A_193 : vector<16xi1>, vector<16xf32>
      %jit3A_204 = arith.constant 20 : i32
      %broadcast_in_dim3A_205 = vector.broadcast %jit3A_204 : i32 to vector<16xi32>
      %select_n3A_206 = arith.select %gt3A_202, %broadcast_in_dim3A_205, %select_n3A_196 : vector<16xi1>, vector<16xi32>
      %get3A_207 = arith.constant 21 : i32
      %get3A_208 = arith.index_cast %get3A_207 : i32 to index
      %get3A_209 = arith.constant 0 : index
      %get3A_210 = tpu.vector_load %arg4[%get3A_208, %get3A_209] {strides = array<i32>} : memref<65x16xf32, #tpu.memory_space<vmem>>, vector<1x16xf32>,
      %get3A_211 = vector.shape_cast %get3A_210 : vector<1x16xf32> to vector<16xf32>
      %gt3A_212 = arith.cmpf ogt, %get3A_211, %select_n3A_203 : vector<16xf32>
      %select_n3A_213 = arith.select %gt3A_212, %get3A_211, %select_n3A_203 : vector<16xi1>, vector<16xf32>
      %jit3A_214 = arith.constant 21 : i32
      %broadcast_in_dim3A_215 = vector.broadcast %jit3A_214 : i32 to vector<16xi32>
      %select_n3A_216 = arith.select %gt3A_212, %broadcast_in_dim3A_215, %select_n3A_206 : vector<16xi1>, vector<16xi32>
      %get3A_217 = arith.constant 22 : i32
      %get3A_218 = arith.index_cast %get3A_217 : i32 to index
      %get3A_219 = arith.constant 0 : index
      %get3A_220 = tpu.vector_load %arg4[%get3A_218, %get3A_219] {strides = array<i32>} : memref<65x16xf32, #tpu.memory_space<vmem>>, vector<1x16xf32>,
      %get3A_221 = vector.shape_cast %get3A_220 : vector<1x16xf32> to vector<16xf32>
      %gt3A_222 = arith.cmpf ogt, %get3A_221, %select_n3A_213 : vector<16xf32>
      %select_n3A_223 = arith.select %gt3A_222, %get3A_221, %select_n3A_213 : vector<16xi1>, vector<16xf32>
      %jit3A_224 = arith.constant 22 : i32
      %broadcast_in_dim3A_225 = vector.broadcast %jit3A_224 : i32 to vector<16xi32>
      %select_n3A_226 = arith.select %gt3A_222, %broadcast_in_dim3A_225, %select_n3A_216 : vector<16xi1>, vector<16xi32>
      %get3A_227 = arith.constant 23 : i32
      %get3A_228 = arith.index_cast %get3A_227 : i32 to index
      %get3A_229 = arith.constant 0 : index
      %get3A_230 = tpu.vector_load %arg4[%get3A_228, %get3A_229] {strides = array<i32>} : memref<65x16xf32, #tpu.memory_space<vmem>>, vector<1x16xf32>,
      %get3A_231 = vector.shape_cast %get3A_230 : vector<1x16xf32> to vector<16xf32>
      %gt3A_232 = arith.cmpf ogt, %get3A_231, %select_n3A_223 : vector<16xf32>
      %select_n3A_233 = arith.select %gt3A_232, %get3A_231, %select_n3A_223 : vector<16xi1>, vector<16xf32>
      %jit3A_234 = arith.constant 23 : i32
      %broadcast_in_dim3A_235 = vector.broadcast %jit3A_234 : i32 to vector<16xi32>
      %select_n3A_236 = arith.select %gt3A_232, %broadcast_in_dim3A_235, %select_n3A_226 : vector<16xi1>, vector<16xi32>
      %get3A_237 = arith.constant 24 : i32
      %get3A_238 = arith.index_cast %get3A_237 : i32 to index
      %get3A_239 = arith.constant 0 : index
      %get3A_240 = tpu.vector_load %arg4[%get3A_238, %get3A_239] {strides = array<i32>} : memref<65x16xf32, #tpu.memory_space<vmem>>, vector<1x16xf32>,
      %get3A_241 = vector.shape_cast %get3A_240 : vector<1x16xf32> to vector<16xf32>
      %gt3A_242 = arith.cmpf ogt, %get3A_241, %select_n3A_233 : vector<16xf32>
      %select_n3A_243 = arith.select %gt3A_242, %get3A_241, %select_n3A_233 : vector<16xi1>, vector<16xf32>
      %jit3A_244 = arith.constant 24 : i32
      %broadcast_in_dim3A_245 = vector.broadcast %jit3A_244 : i32 to vector<16xi32>
      %select_n3A_246 = arith.select %gt3A_242, %broadcast_in_dim3A_245, %select_n3A_236 : vector<16xi1>, vector<16xi32>
      %get3A_247 = arith.constant 25 : i32
      %get3A_248 = arith.index_cast %get3A_247 : i32 to index
      %get3A_249 = arith.constant 0 : index
      %get3A_250 = tpu.vector_load %arg4[%get3A_248, %get3A_249] {strides = array<i32>} : memref<65x16xf32, #tpu.memory_space<vmem>>, vector<1x16xf32>,
      %get3A_251 = vector.shape_cast %get3A_250 : vector<1x16xf32> to vector<16xf32>
      %gt3A_252 = arith.cmpf ogt, %get3A_251, %select_n3A_243 : vector<16xf32>
      %select_n3A_253 = arith.select %gt3A_252, %get3A_251, %select_n3A_243 : vector<16xi1>, vector<16xf32>
      %jit3A_254 = arith.constant 25 : i32
      %broadcast_in_dim3A_255 = vector.broadcast %jit3A_254 : i32 to vector<16xi32>
      %select_n3A_256 = arith.select %gt3A_252, %broadcast_in_dim3A_255, %select_n3A_246 : vector<16xi1>, vector<16xi32>
      %get3A_257 = arith.constant 26 : i32
      %get3A_258 = arith.index_cast %get3A_257 : i32 to index
      %get3A_259 = arith.constant 0 : index
      %get3A_260 = tpu.vector_load %arg4[%get3A_258, %get3A_259] {strides = array<i32>} : memref<65x16xf32, #tpu.memory_space<vmem>>, vector<1x16xf32>,
      %get3A_261 = vector.shape_cast %get3A_260 : vector<1x16xf32> to vector<16xf32>
      %gt3A_262 = arith.cmpf ogt, %get3A_261, %select_n3A_253 : vector<16xf32>
      %select_n3A_263 = arith.select %gt3A_262, %get3A_261, %select_n3A_253 : vector<16xi1>, vector<16xf32>
      %jit3A_264 = arith.constant 26 : i32
      %broadcast_in_dim3A_265 = vector.broadcast %jit3A_264 : i32 to vector<16xi32>
      %select_n3A_266 = arith.select %gt3A_262, %broadcast_in_dim3A_265, %select_n3A_256 : vector<16xi1>, vector<16xi32>
      %get3A_267 = arith.constant 27 : i32
      %get3A_268 = arith.index_cast %get3A_267 : i32 to index
      %get3A_269 = arith.constant 0 : index
      %get3A_270 = tpu.vector_load %arg4[%get3A_268, %get3A_269] {strides = array<i32>} : memref<65x16xf32, #tpu.memory_space<vmem>>, vector<1x16xf32>,
      %get3A_271 = vector.shape_cast %get3A_270 : vector<1x16xf32> to vector<16xf32>
      %gt3A_272 = arith.cmpf ogt, %get3A_271, %select_n3A_263 : vector<16xf32>
      %select_n3A_273 = arith.select %gt3A_272, %get3A_271, %select_n3A_263 : vector<16xi1>, vector<16xf32>
      %jit3A_274 = arith.constant 27 : i32
      %broadcast_in_dim3A_275 = vector.broadcast %jit3A_274 : i32 to vector<16xi32>
      %select_n3A_276 = arith.select %gt3A_272, %broadcast_in_dim3A_275, %select_n3A_266 : vector<16xi1>, vector<16xi32>
      %get3A_277 = arith.constant 28 : i32
      %get3A_278 = arith.index_cast %get3A_277 : i32 to index
      %get3A_279 = arith.constant 0 : index
      %get3A_280 = tpu.vector_load %arg4[%get3A_278, %get3A_279] {strides = array<i32>} : memref<65x16xf32, #tpu.memory_space<vmem>>, vector<1x16xf32>,
      %get3A_281 = vector.shape_cast %get3A_280 : vector<1x16xf32> to vector<16xf32>
      %gt3A_282 = arith.cmpf ogt, %get3A_281, %select_n3A_273 : vector<16xf32>
      %select_n3A_283 = arith.select %gt3A_282, %get3A_281, %select_n3A_273 : vector<16xi1>, vector<16xf32>
      %jit3A_284 = arith.constant 28 : i32
      %broadcast_in_dim3A_285 = vector.broadcast %jit3A_284 : i32 to vector<16xi32>
      %select_n3A_286 = arith.select %gt3A_282, %broadcast_in_dim3A_285, %select_n3A_276 : vector<16xi1>, vector<16xi32>
      %get3A_287 = arith.constant 29 : i32
      %get3A_288 = arith.index_cast %get3A_287 : i32 to index
      %get3A_289 = arith.constant 0 : index
      %get3A_290 = tpu.vector_load %arg4[%get3A_288, %get3A_289] {strides = array<i32>} : memref<65x16xf32, #tpu.memory_space<vmem>>, vector<1x16xf32>,
      %get3A_291 = vector.shape_cast %get3A_290 : vector<1x16xf32> to vector<16xf32>
      %gt3A_292 = arith.cmpf ogt, %get3A_291, %select_n3A_283 : vector<16xf32>
      %select_n3A_293 = arith.select %gt3A_292, %get3A_291, %select_n3A_283 : vector<16xi1>, vector<16xf32>
      %jit3A_294 = arith.constant 29 : i32
      %broadcast_in_dim3A_295 = vector.broadcast %jit3A_294 : i32 to vector<16xi32>
      %select_n3A_296 = arith.select %gt3A_292, %broadcast_in_dim3A_295, %select_n3A_286 : vector<16xi1>, vector<16xi32>
      %get3A_297 = arith.constant 30 : i32
      %get3A_298 = arith.index_cast %get3A_297 : i32 to index
      %get3A_299 = arith.constant 0 : index
      %get3A_300 = tpu.vector_load %arg4[%get3A_298, %get3A_299] {strides = array<i32>} : memref<65x16xf32, #tpu.memory_space<vmem>>, vector<1x16xf32>,
      %get3A_301 = vector.shape_cast %get3A_300 : vector<1x16xf32> to vector<16xf32>
      %gt3A_302 = arith.cmpf ogt, %get3A_301, %select_n3A_293 : vector<16xf32>
      %select_n3A_303 = arith.select %gt3A_302, %get3A_301, %select_n3A_293 : vector<16xi1>, vector<16xf32>
      %jit3A_304 = arith.constant 30 : i32
      %broadcast_in_dim3A_305 = vector.broadcast %jit3A_304 : i32 to vector<16xi32>
      %select_n3A_306 = arith.select %gt3A_302, %broadcast_in_dim3A_305, %select_n3A_296 : vector<16xi1>, vector<16xi32>
      %get3A_307 = arith.constant 31 : i32
      %get3A_308 = arith.index_cast %get3A_307 : i32 to index
      %get3A_309 = arith.constant 0 : index
      %get3A_310 = tpu.vector_load %arg4[%get3A_308, %get3A_309] {strides = array<i32>} : memref<65x16xf32, #tpu.memory_space<vmem>>, vector<1x16xf32>,
      %get3A_311 = vector.shape_cast %get3A_310 : vector<1x16xf32> to vector<16xf32>
      %gt3A_312 = arith.cmpf ogt, %get3A_311, %select_n3A_303 : vector<16xf32>
      %select_n3A_313 = arith.select %gt3A_312, %get3A_311, %select_n3A_303 : vector<16xi1>, vector<16xf32>
      %jit3A_314 = arith.constant 31 : i32
      %broadcast_in_dim3A_315 = vector.broadcast %jit3A_314 : i32 to vector<16xi32>
      %select_n3A_316 = arith.select %gt3A_312, %broadcast_in_dim3A_315, %select_n3A_306 : vector<16xi1>, vector<16xi32>
      %get3A_317 = arith.constant 32 : i32
      %get3A_318 = arith.index_cast %get3A_317 : i32 to index
      %get3A_319 = arith.constant 0 : index
      %get3A_320 = tpu.vector_load %arg4[%get3A_318, %get3A_319] {strides = array<i32>} : memref<65x16xf32, #tpu.memory_space<vmem>>, vector<1x16xf32>,
      %get3A_321 = vector.shape_cast %get3A_320 : vector<1x16xf32> to vector<16xf32>
      %gt3A_322 = arith.cmpf ogt, %get3A_321, %select_n3A_313 : vector<16xf32>
      %select_n3A_323 = arith.select %gt3A_322, %get3A_321, %select_n3A_313 : vector<16xi1>, vector<16xf32>
      %jit3A_324 = arith.constant 32 : i32
      %broadcast_in_dim3A_325 = vector.broadcast %jit3A_324 : i32 to vector<16xi32>
      %select_n3A_326 = arith.select %gt3A_322, %broadcast_in_dim3A_325, %select_n3A_316 : vector<16xi1>, vector<16xi32>
      %get3A_327 = arith.constant 33 : i32
      %get3A_328 = arith.index_cast %get3A_327 : i32 to index
      %get3A_329 = arith.constant 0 : index
      %get3A_330 = tpu.vector_load %arg4[%get3A_328, %get3A_329] {strides = array<i32>} : memref<65x16xf32, #tpu.memory_space<vmem>>, vector<1x16xf32>,
      %get3A_331 = vector.shape_cast %get3A_330 : vector<1x16xf32> to vector<16xf32>
      %gt3A_332 = arith.cmpf ogt, %get3A_331, %select_n3A_323 : vector<16xf32>
      %select_n3A_333 = arith.select %gt3A_332, %get3A_331, %select_n3A_323 : vector<16xi1>, vector<16xf32>
      %jit3A_334 = arith.constant 33 : i32
      %broadcast_in_dim3A_335 = vector.broadcast %jit3A_334 : i32 to vector<16xi32>
      %select_n3A_336 = arith.select %gt3A_332, %broadcast_in_dim3A_335, %select_n3A_326 : vector<16xi1>, vector<16xi32>
      %get3A_337 = arith.constant 34 : i32
      %get3A_338 = arith.index_cast %get3A_337 : i32 to index
      %get3A_339 = arith.constant 0 : index
      %get3A_340 = tpu.vector_load %arg4[%get3A_338, %get3A_339] {strides = array<i32>} : memref<65x16xf32, #tpu.memory_space<vmem>>, vector<1x16xf32>,
      %get3A_341 = vector.shape_cast %get3A_340 : vector<1x16xf32> to vector<16xf32>
      %gt3A_342 = arith.cmpf ogt, %get3A_341, %select_n3A_333 : vector<16xf32>
      %select_n3A_343 = arith.select %gt3A_342, %get3A_341, %select_n3A_333 : vector<16xi1>, vector<16xf32>
      %jit3A_344 = arith.constant 34 : i32
      %broadcast_in_dim3A_345 = vector.broadcast %jit3A_344 : i32 to vector<16xi32>
      %select_n3A_346 = arith.select %gt3A_342, %broadcast_in_dim3A_345, %select_n3A_336 : vector<16xi1>, vector<16xi32>
      %get3A_347 = arith.constant 35 : i32
      %get3A_348 = arith.index_cast %get3A_347 : i32 to index
      %get3A_349 = arith.constant 0 : index
      %get3A_350 = tpu.vector_load %arg4[%get3A_348, %get3A_349] {strides = array<i32>} : memref<65x16xf32, #tpu.memory_space<vmem>>, vector<1x16xf32>,
      %get3A_351 = vector.shape_cast %get3A_350 : vector<1x16xf32> to vector<16xf32>
      %gt3A_352 = arith.cmpf ogt, %get3A_351, %select_n3A_343 : vector<16xf32>
      %select_n3A_353 = arith.select %gt3A_352, %get3A_351, %select_n3A_343 : vector<16xi1>, vector<16xf32>
      %jit3A_354 = arith.constant 35 : i32
      %broadcast_in_dim3A_355 = vector.broadcast %jit3A_354 : i32 to vector<16xi32>
      %select_n3A_356 = arith.select %gt3A_352, %broadcast_in_dim3A_355, %select_n3A_346 : vector<16xi1>, vector<16xi32>
      %get3A_357 = arith.constant 36 : i32
      %get3A_358 = arith.index_cast %get3A_357 : i32 to index
      %get3A_359 = arith.constant 0 : index
      %get3A_360 = tpu.vector_load %arg4[%get3A_358, %get3A_359] {strides = array<i32>} : memref<65x16xf32, #tpu.memory_space<vmem>>, vector<1x16xf32>,
      %get3A_361 = vector.shape_cast %get3A_360 : vector<1x16xf32> to vector<16xf32>
      %gt3A_362 = arith.cmpf ogt, %get3A_361, %select_n3A_353 : vector<16xf32>
      %select_n3A_363 = arith.select %gt3A_362, %get3A_361, %select_n3A_353 : vector<16xi1>, vector<16xf32>
      %jit3A_364 = arith.constant 36 : i32
      %broadcast_in_dim3A_365 = vector.broadcast %jit3A_364 : i32 to vector<16xi32>
      %select_n3A_366 = arith.select %gt3A_362, %broadcast_in_dim3A_365, %select_n3A_356 : vector<16xi1>, vector<16xi32>
      %get3A_367 = arith.constant 37 : i32
      %get3A_368 = arith.index_cast %get3A_367 : i32 to index
      %get3A_369 = arith.constant 0 : index
      %get3A_370 = tpu.vector_load %arg4[%get3A_368, %get3A_369] {strides = array<i32>} : memref<65x16xf32, #tpu.memory_space<vmem>>, vector<1x16xf32>,
      %get3A_371 = vector.shape_cast %get3A_370 : vector<1x16xf32> to vector<16xf32>
      %gt3A_372 = arith.cmpf ogt, %get3A_371, %select_n3A_363 : vector<16xf32>
      %select_n3A_373 = arith.select %gt3A_372, %get3A_371, %select_n3A_363 : vector<16xi1>, vector<16xf32>
      %jit3A_374 = arith.constant 37 : i32
      %broadcast_in_dim3A_375 = vector.broadcast %jit3A_374 : i32 to vector<16xi32>
      %select_n3A_376 = arith.select %gt3A_372, %broadcast_in_dim3A_375, %select_n3A_366 : vector<16xi1>, vector<16xi32>
      %get3A_377 = arith.constant 38 : i32
      %get3A_378 = arith.index_cast %get3A_377 : i32 to index
      %get3A_379 = arith.constant 0 : index
      %get3A_380 = tpu.vector_load %arg4[%get3A_378, %get3A_379] {strides = array<i32>} : memref<65x16xf32, #tpu.memory_space<vmem>>, vector<1x16xf32>,
      %get3A_381 = vector.shape_cast %get3A_380 : vector<1x16xf32> to vector<16xf32>
      %gt3A_382 = arith.cmpf ogt, %get3A_381, %select_n3A_373 : vector<16xf32>
      %select_n3A_383 = arith.select %gt3A_382, %get3A_381, %select_n3A_373 : vector<16xi1>, vector<16xf32>
      %jit3A_384 = arith.constant 38 : i32
      %broadcast_in_dim3A_385 = vector.broadcast %jit3A_384 : i32 to vector<16xi32>
      %select_n3A_386 = arith.select %gt3A_382, %broadcast_in_dim3A_385, %select_n3A_376 : vector<16xi1>, vector<16xi32>
      %get3A_387 = arith.constant 39 : i32
      %get3A_388 = arith.index_cast %get3A_387 : i32 to index
      %get3A_389 = arith.constant 0 : index
      %get3A_390 = tpu.vector_load %arg4[%get3A_388, %get3A_389] {strides = array<i32>} : memref<65x16xf32, #tpu.memory_space<vmem>>, vector<1x16xf32>,
      %get3A_391 = vector.shape_cast %get3A_390 : vector<1x16xf32> to vector<16xf32>
      %gt3A_392 = arith.cmpf ogt, %get3A_391, %select_n3A_383 : vector<16xf32>
      %select_n3A_393 = arith.select %gt3A_392, %get3A_391, %select_n3A_383 : vector<16xi1>, vector<16xf32>
      %jit3A_394 = arith.constant 39 : i32
      %broadcast_in_dim3A_395 = vector.broadcast %jit3A_394 : i32 to vector<16xi32>
      %select_n3A_396 = arith.select %gt3A_392, %broadcast_in_dim3A_395, %select_n3A_386 : vector<16xi1>, vector<16xi32>
      %get3A_397 = arith.constant 40 : i32
      %get3A_398 = arith.index_cast %get3A_397 : i32 to index
      %get3A_399 = arith.constant 0 : index
      %get3A_400 = tpu.vector_load %arg4[%get3A_398, %get3A_399] {strides = array<i32>} : memref<65x16xf32, #tpu.memory_space<vmem>>, vector<1x16xf32>,
      %get3A_401 = vector.shape_cast %get3A_400 : vector<1x16xf32> to vector<16xf32>
      %gt3A_402 = arith.cmpf ogt, %get3A_401, %select_n3A_393 : vector<16xf32>
      %select_n3A_403 = arith.select %gt3A_402, %get3A_401, %select_n3A_393 : vector<16xi1>, vector<16xf32>
      %jit3A_404 = arith.constant 40 : i32
      %broadcast_in_dim3A_405 = vector.broadcast %jit3A_404 : i32 to vector<16xi32>
      %select_n3A_406 = arith.select %gt3A_402, %broadcast_in_dim3A_405, %select_n3A_396 : vector<16xi1>, vector<16xi32>
      %get3A_407 = arith.constant 41 : i32
      %get3A_408 = arith.index_cast %get3A_407 : i32 to index
      %get3A_409 = arith.constant 0 : index
      %get3A_410 = tpu.vector_load %arg4[%get3A_408, %get3A_409] {strides = array<i32>} : memref<65x16xf32, #tpu.memory_space<vmem>>, vector<1x16xf32>,
      %get3A_411 = vector.shape_cast %get3A_410 : vector<1x16xf32> to vector<16xf32>
      %gt3A_412 = arith.cmpf ogt, %get3A_411, %select_n3A_403 : vector<16xf32>
      %select_n3A_413 = arith.select %gt3A_412, %get3A_411, %select_n3A_403 : vector<16xi1>, vector<16xf32>
      %jit3A_414 = arith.constant 41 : i32
      %broadcast_in_dim3A_415 = vector.broadcast %jit3A_414 : i32 to vector<16xi32>
      %select_n3A_416 = arith.select %gt3A_412, %broadcast_in_dim3A_415, %select_n3A_406 : vector<16xi1>, vector<16xi32>
      %get3A_417 = arith.constant 42 : i32
      %get3A_418 = arith.index_cast %get3A_417 : i32 to index
      %get3A_419 = arith.constant 0 : index
      %get3A_420 = tpu.vector_load %arg4[%get3A_418, %get3A_419] {strides = array<i32>} : memref<65x16xf32, #tpu.memory_space<vmem>>, vector<1x16xf32>,
      %get3A_421 = vector.shape_cast %get3A_420 : vector<1x16xf32> to vector<16xf32>
      %gt3A_422 = arith.cmpf ogt, %get3A_421, %select_n3A_413 : vector<16xf32>
      %select_n3A_423 = arith.select %gt3A_422, %get3A_421, %select_n3A_413 : vector<16xi1>, vector<16xf32>
      %jit3A_424 = arith.constant 42 : i32
      %broadcast_in_dim3A_425 = vector.broadcast %jit3A_424 : i32 to vector<16xi32>
      %select_n3A_426 = arith.select %gt3A_422, %broadcast_in_dim3A_425, %select_n3A_416 : vector<16xi1>, vector<16xi32>
      %get3A_427 = arith.constant 43 : i32
      %get3A_428 = arith.index_cast %get3A_427 : i32 to index
      %get3A_429 = arith.constant 0 : index
      %get3A_430 = tpu.vector_load %arg4[%get3A_428, %get3A_429] {strides = array<i32>} : memref<65x16xf32, #tpu.memory_space<vmem>>, vector<1x16xf32>,
      %get3A_431 = vector.shape_cast %get3A_430 : vector<1x16xf32> to vector<16xf32>
      %gt3A_432 = arith.cmpf ogt, %get3A_431, %select_n3A_423 : vector<16xf32>
      %select_n3A_433 = arith.select %gt3A_432, %get3A_431, %select_n3A_423 : vector<16xi1>, vector<16xf32>
      %jit3A_434 = arith.constant 43 : i32
      %broadcast_in_dim3A_435 = vector.broadcast %jit3A_434 : i32 to vector<16xi32>
      %select_n3A_436 = arith.select %gt3A_432, %broadcast_in_dim3A_435, %select_n3A_426 : vector<16xi1>, vector<16xi32>
      %get3A_437 = arith.constant 44 : i32
      %get3A_438 = arith.index_cast %get3A_437 : i32 to index
      %get3A_439 = arith.constant 0 : index
      %get3A_440 = tpu.vector_load %arg4[%get3A_438, %get3A_439] {strides = array<i32>} : memref<65x16xf32, #tpu.memory_space<vmem>>, vector<1x16xf32>,
      %get3A_441 = vector.shape_cast %get3A_440 : vector<1x16xf32> to vector<16xf32>
      %gt3A_442 = arith.cmpf ogt, %get3A_441, %select_n3A_433 : vector<16xf32>
      %select_n3A_443 = arith.select %gt3A_442, %get3A_441, %select_n3A_433 : vector<16xi1>, vector<16xf32>
      %jit3A_444 = arith.constant 44 : i32
      %broadcast_in_dim3A_445 = vector.broadcast %jit3A_444 : i32 to vector<16xi32>
      %select_n3A_446 = arith.select %gt3A_442, %broadcast_in_dim3A_445, %select_n3A_436 : vector<16xi1>, vector<16xi32>
      %get3A_447 = arith.constant 45 : i32
      %get3A_448 = arith.index_cast %get3A_447 : i32 to index
      %get3A_449 = arith.constant 0 : index
      %get3A_450 = tpu.vector_load %arg4[%get3A_448, %get3A_449] {strides = array<i32>} : memref<65x16xf32, #tpu.memory_space<vmem>>, vector<1x16xf32>,
      %get3A_451 = vector.shape_cast %get3A_450 : vector<1x16xf32> to vector<16xf32>
      %gt3A_452 = arith.cmpf ogt, %get3A_451, %select_n3A_443 : vector<16xf32>
      %select_n3A_453 = arith.select %gt3A_452, %get3A_451, %select_n3A_443 : vector<16xi1>, vector<16xf32>
      %jit3A_454 = arith.constant 45 : i32
      %broadcast_in_dim3A_455 = vector.broadcast %jit3A_454 : i32 to vector<16xi32>
      %select_n3A_456 = arith.select %gt3A_452, %broadcast_in_dim3A_455, %select_n3A_446 : vector<16xi1>, vector<16xi32>
      %get3A_457 = arith.constant 46 : i32
      %get3A_458 = arith.index_cast %get3A_457 : i32 to index
      %get3A_459 = arith.constant 0 : index
      %get3A_460 = tpu.vector_load %arg4[%get3A_458, %get3A_459] {strides = array<i32>} : memref<65x16xf32, #tpu.memory_space<vmem>>, vector<1x16xf32>,
      %get3A_461 = vector.shape_cast %get3A_460 : vector<1x16xf32> to vector<16xf32>
      %gt3A_462 = arith.cmpf ogt, %get3A_461, %select_n3A_453 : vector<16xf32>
      %select_n3A_463 = arith.select %gt3A_462, %get3A_461, %select_n3A_453 : vector<16xi1>, vector<16xf32>
      %jit3A_464 = arith.constant 46 : i32
      %broadcast_in_dim3A_465 = vector.broadcast %jit3A_464 : i32 to vector<16xi32>
      %select_n3A_466 = arith.select %gt3A_462, %broadcast_in_dim3A_465, %select_n3A_456 : vector<16xi1>, vector<16xi32>
      %get3A_467 = arith.constant 47 : i32
      %get3A_468 = arith.index_cast %get3A_467 : i32 to index
      %get3A_469 = arith.constant 0 : index
      %get3A_470 = tpu.vector_load %arg4[%get3A_468, %get3A_469] {strides = array<i32>} : memref<65x16xf32, #tpu.memory_space<vmem>>, vector<1x16xf32>,
      %get3A_471 = vector.shape_cast %get3A_470 : vector<1x16xf32> to vector<16xf32>
      %gt3A_472 = arith.cmpf ogt, %get3A_471, %select_n3A_463 : vector<16xf32>
      %select_n3A_473 = arith.select %gt3A_472, %get3A_471, %select_n3A_463 : vector<16xi1>, vector<16xf32>
      %jit3A_474 = arith.constant 47 : i32
      %broadcast_in_dim3A_475 = vector.broadcast %jit3A_474 : i32 to vector<16xi32>
      %select_n3A_476 = arith.select %gt3A_472, %broadcast_in_dim3A_475, %select_n3A_466 : vector<16xi1>, vector<16xi32>
      %get3A_477 = arith.constant 48 : i32
      %get3A_478 = arith.index_cast %get3A_477 : i32 to index
      %get3A_479 = arith.constant 0 : index
      %get3A_480 = tpu.vector_load %arg4[%get3A_478, %get3A_479] {strides = array<i32>} : memref<65x16xf32, #tpu.memory_space<vmem>>, vector<1x16xf32>,
      %get3A_481 = vector.shape_cast %get3A_480 : vector<1x16xf32> to vector<16xf32>
      %gt3A_482 = arith.cmpf ogt, %get3A_481, %select_n3A_473 : vector<16xf32>
      %select_n3A_483 = arith.select %gt3A_482, %get3A_481, %select_n3A_473 : vector<16xi1>, vector<16xf32>
      %jit3A_484 = arith.constant 48 : i32
      %broadcast_in_dim3A_485 = vector.broadcast %jit3A_484 : i32 to vector<16xi32>
      %select_n3A_486 = arith.select %gt3A_482, %broadcast_in_dim3A_485, %select_n3A_476 : vector<16xi1>, vector<16xi32>
      %get3A_487 = arith.constant 49 : i32
      %get3A_488 = arith.index_cast %get3A_487 : i32 to index
      %get3A_489 = arith.constant 0 : index
      %get3A_490 = tpu.vector_load %arg4[%get3A_488, %get3A_489] {strides = array<i32>} : memref<65x16xf32, #tpu.memory_space<vmem>>, vector<1x16xf32>,
      %get3A_491 = vector.shape_cast %get3A_490 : vector<1x16xf32> to vector<16xf32>
      %gt3A_492 = arith.cmpf ogt, %get3A_491, %select_n3A_483 : vector<16xf32>
      %select_n3A_493 = arith.select %gt3A_492, %get3A_491, %select_n3A_483 : vector<16xi1>, vector<16xf32>
      %jit3A_494 = arith.constant 49 : i32
      %broadcast_in_dim3A_495 = vector.broadcast %jit3A_494 : i32 to vector<16xi32>
      %select_n3A_496 = arith.select %gt3A_492, %broadcast_in_dim3A_495, %select_n3A_486 : vector<16xi1>, vector<16xi32>
      %get3A_497 = arith.constant 50 : i32
      %get3A_498 = arith.index_cast %get3A_497 : i32 to index
      %get3A_499 = arith.constant 0 : index
      %get3A_500 = tpu.vector_load %arg4[%get3A_498, %get3A_499] {strides = array<i32>} : memref<65x16xf32, #tpu.memory_space<vmem>>, vector<1x16xf32>,
      %get3A_501 = vector.shape_cast %get3A_500 : vector<1x16xf32> to vector<16xf32>
      %gt3A_502 = arith.cmpf ogt, %get3A_501, %select_n3A_493 : vector<16xf32>
      %select_n3A_503 = arith.select %gt3A_502, %get3A_501, %select_n3A_493 : vector<16xi1>, vector<16xf32>
      %jit3A_504 = arith.constant 50 : i32
      %broadcast_in_dim3A_505 = vector.broadcast %jit3A_504 : i32 to vector<16xi32>
      %select_n3A_506 = arith.select %gt3A_502, %broadcast_in_dim3A_505, %select_n3A_496 : vector<16xi1>, vector<16xi32>
      %get3A_507 = arith.constant 51 : i32
      %get3A_508 = arith.index_cast %get3A_507 : i32 to index
      %get3A_509 = arith.constant 0 : index
      %get3A_510 = tpu.vector_load %arg4[%get3A_508, %get3A_509] {strides = array<i32>} : memref<65x16xf32, #tpu.memory_space<vmem>>, vector<1x16xf32>,
      %get3A_511 = vector.shape_cast %get3A_510 : vector<1x16xf32> to vector<16xf32>
      %gt3A_512 = arith.cmpf ogt, %get3A_511, %select_n3A_503 : vector<16xf32>
      %select_n3A_513 = arith.select %gt3A_512, %get3A_511, %select_n3A_503 : vector<16xi1>, vector<16xf32>
      %jit3A_514 = arith.constant 51 : i32
      %broadcast_in_dim3A_515 = vector.broadcast %jit3A_514 : i32 to vector<16xi32>
      %select_n3A_516 = arith.select %gt3A_512, %broadcast_in_dim3A_515, %select_n3A_506 : vector<16xi1>, vector<16xi32>
      %get3A_517 = arith.constant 52 : i32
      %get3A_518 = arith.index_cast %get3A_517 : i32 to index
      %get3A_519 = arith.constant 0 : index
      %get3A_520 = tpu.vector_load %arg4[%get3A_518, %get3A_519] {strides = array<i32>} : memref<65x16xf32, #tpu.memory_space<vmem>>, vector<1x16xf32>,
      %get3A_521 = vector.shape_cast %get3A_520 : vector<1x16xf32> to vector<16xf32>
      %gt3A_522 = arith.cmpf ogt, %get3A_521, %select_n3A_513 : vector<16xf32>
      %select_n3A_523 = arith.select %gt3A_522, %get3A_521, %select_n3A_513 : vector<16xi1>, vector<16xf32>
      %jit3A_524 = arith.constant 52 : i32
      %broadcast_in_dim3A_525 = vector.broadcast %jit3A_524 : i32 to vector<16xi32>
      %select_n3A_526 = arith.select %gt3A_522, %broadcast_in_dim3A_525, %select_n3A_516 : vector<16xi1>, vector<16xi32>
      %get3A_527 = arith.constant 53 : i32
      %get3A_528 = arith.index_cast %get3A_527 : i32 to index
      %get3A_529 = arith.constant 0 : index
      %get3A_530 = tpu.vector_load %arg4[%get3A_528, %get3A_529] {strides = array<i32>} : memref<65x16xf32, #tpu.memory_space<vmem>>, vector<1x16xf32>,
      %get3A_531 = vector.shape_cast %get3A_530 : vector<1x16xf32> to vector<16xf32>
      %gt3A_532 = arith.cmpf ogt, %get3A_531, %select_n3A_523 : vector<16xf32>
      %select_n3A_533 = arith.select %gt3A_532, %get3A_531, %select_n3A_523 : vector<16xi1>, vector<16xf32>
      %jit3A_534 = arith.constant 53 : i32
      %broadcast_in_dim3A_535 = vector.broadcast %jit3A_534 : i32 to vector<16xi32>
      %select_n3A_536 = arith.select %gt3A_532, %broadcast_in_dim3A_535, %select_n3A_526 : vector<16xi1>, vector<16xi32>
      %get3A_537 = arith.constant 54 : i32
      %get3A_538 = arith.index_cast %get3A_537 : i32 to index
      %get3A_539 = arith.constant 0 : index
      %get3A_540 = tpu.vector_load %arg4[%get3A_538, %get3A_539] {strides = array<i32>} : memref<65x16xf32, #tpu.memory_space<vmem>>, vector<1x16xf32>,
      %get3A_541 = vector.shape_cast %get3A_540 : vector<1x16xf32> to vector<16xf32>
      %gt3A_542 = arith.cmpf ogt, %get3A_541, %select_n3A_533 : vector<16xf32>
      %select_n3A_543 = arith.select %gt3A_542, %get3A_541, %select_n3A_533 : vector<16xi1>, vector<16xf32>
      %jit3A_544 = arith.constant 54 : i32
      %broadcast_in_dim3A_545 = vector.broadcast %jit3A_544 : i32 to vector<16xi32>
      %select_n3A_546 = arith.select %gt3A_542, %broadcast_in_dim3A_545, %select_n3A_536 : vector<16xi1>, vector<16xi32>
      %get3A_547 = arith.constant 55 : i32
      %get3A_548 = arith.index_cast %get3A_547 : i32 to index
      %get3A_549 = arith.constant 0 : index
      %get3A_550 = tpu.vector_load %arg4[%get3A_548, %get3A_549] {strides = array<i32>} : memref<65x16xf32, #tpu.memory_space<vmem>>, vector<1x16xf32>,
      %get3A_551 = vector.shape_cast %get3A_550 : vector<1x16xf32> to vector<16xf32>
      %gt3A_552 = arith.cmpf ogt, %get3A_551, %select_n3A_543 : vector<16xf32>
      %select_n3A_553 = arith.select %gt3A_552, %get3A_551, %select_n3A_543 : vector<16xi1>, vector<16xf32>
      %jit3A_554 = arith.constant 55 : i32
      %broadcast_in_dim3A_555 = vector.broadcast %jit3A_554 : i32 to vector<16xi32>
      %select_n3A_556 = arith.select %gt3A_552, %broadcast_in_dim3A_555, %select_n3A_546 : vector<16xi1>, vector<16xi32>
      %get3A_557 = arith.constant 56 : i32
      %get3A_558 = arith.index_cast %get3A_557 : i32 to index
      %get3A_559 = arith.constant 0 : index
      %get3A_560 = tpu.vector_load %arg4[%get3A_558, %get3A_559] {strides = array<i32>} : memref<65x16xf32, #tpu.memory_space<vmem>>, vector<1x16xf32>,
      %get3A_561 = vector.shape_cast %get3A_560 : vector<1x16xf32> to vector<16xf32>
      %gt3A_562 = arith.cmpf ogt, %get3A_561, %select_n3A_553 : vector<16xf32>
      %select_n3A_563 = arith.select %gt3A_562, %get3A_561, %select_n3A_553 : vector<16xi1>, vector<16xf32>
      %jit3A_564 = arith.constant 56 : i32
      %broadcast_in_dim3A_565 = vector.broadcast %jit3A_564 : i32 to vector<16xi32>
      %select_n3A_566 = arith.select %gt3A_562, %broadcast_in_dim3A_565, %select_n3A_556 : vector<16xi1>, vector<16xi32>
      %get3A_567 = arith.constant 57 : i32
      %get3A_568 = arith.index_cast %get3A_567 : i32 to index
      %get3A_569 = arith.constant 0 : index
      %get3A_570 = tpu.vector_load %arg4[%get3A_568, %get3A_569] {strides = array<i32>} : memref<65x16xf32, #tpu.memory_space<vmem>>, vector<1x16xf32>,
      %get3A_571 = vector.shape_cast %get3A_570 : vector<1x16xf32> to vector<16xf32>
      %gt3A_572 = arith.cmpf ogt, %get3A_571, %select_n3A_563 : vector<16xf32>
      %select_n3A_573 = arith.select %gt3A_572, %get3A_571, %select_n3A_563 : vector<16xi1>, vector<16xf32>
      %jit3A_574 = arith.constant 57 : i32
      %broadcast_in_dim3A_575 = vector.broadcast %jit3A_574 : i32 to vector<16xi32>
      %select_n3A_576 = arith.select %gt3A_572, %broadcast_in_dim3A_575, %select_n3A_566 : vector<16xi1>, vector<16xi32>
      %get3A_577 = arith.constant 58 : i32
      %get3A_578 = arith.index_cast %get3A_577 : i32 to index
      %get3A_579 = arith.constant 0 : index
      %get3A_580 = tpu.vector_load %arg4[%get3A_578, %get3A_579] {strides = array<i32>} : memref<65x16xf32, #tpu.memory_space<vmem>>, vector<1x16xf32>,
      %get3A_581 = vector.shape_cast %get3A_580 : vector<1x16xf32> to vector<16xf32>
      %gt3A_582 = arith.cmpf ogt, %get3A_581, %select_n3A_573 : vector<16xf32>
      %select_n3A_583 = arith.select %gt3A_582, %get3A_581, %select_n3A_573 : vector<16xi1>, vector<16xf32>
      %jit3A_584 = arith.constant 58 : i32
      %broadcast_in_dim3A_585 = vector.broadcast %jit3A_584 : i32 to vector<16xi32>
      %select_n3A_586 = arith.select %gt3A_582, %broadcast_in_dim3A_585, %select_n3A_576 : vector<16xi1>, vector<16xi32>
      %get3A_587 = arith.constant 59 : i32
      %get3A_588 = arith.index_cast %get3A_587 : i32 to index
      %get3A_589 = arith.constant 0 : index
      %get3A_590 = tpu.vector_load %arg4[%get3A_588, %get3A_589] {strides = array<i32>} : memref<65x16xf32, #tpu.memory_space<vmem>>, vector<1x16xf32>,
      %get3A_591 = vector.shape_cast %get3A_590 : vector<1x16xf32> to vector<16xf32>
      %gt3A_592 = arith.cmpf ogt, %get3A_591, %select_n3A_583 : vector<16xf32>
      %select_n3A_593 = arith.select %gt3A_592, %get3A_591, %select_n3A_583 : vector<16xi1>, vector<16xf32>
      %jit3A_594 = arith.constant 59 : i32
      %broadcast_in_dim3A_595 = vector.broadcast %jit3A_594 : i32 to vector<16xi32>
      %select_n3A_596 = arith.select %gt3A_592, %broadcast_in_dim3A_595, %select_n3A_586 : vector<16xi1>, vector<16xi32>
      %get3A_597 = arith.constant 60 : i32
      %get3A_598 = arith.index_cast %get3A_597 : i32 to index
      %get3A_599 = arith.constant 0 : index
      %get3A_600 = tpu.vector_load %arg4[%get3A_598, %get3A_599] {strides = array<i32>} : memref<65x16xf32, #tpu.memory_space<vmem>>, vector<1x16xf32>,
      %get3A_601 = vector.shape_cast %get3A_600 : vector<1x16xf32> to vector<16xf32>
      %gt3A_602 = arith.cmpf ogt, %get3A_601, %select_n3A_593 : vector<16xf32>
      %select_n3A_603 = arith.select %gt3A_602, %get3A_601, %select_n3A_593 : vector<16xi1>, vector<16xf32>
      %jit3A_604 = arith.constant 60 : i32
      %broadcast_in_dim3A_605 = vector.broadcast %jit3A_604 : i32 to vector<16xi32>
      %select_n3A_606 = arith.select %gt3A_602, %broadcast_in_dim3A_605, %select_n3A_596 : vector<16xi1>, vector<16xi32>
      %get3A_607 = arith.constant 61 : i32
      %get3A_608 = arith.index_cast %get3A_607 : i32 to index
      %get3A_609 = arith.constant 0 : index
      %get3A_610 = tpu.vector_load %arg4[%get3A_608, %get3A_609] {strides = array<i32>} : memref<65x16xf32, #tpu.memory_space<vmem>>, vector<1x16xf32>,
      %get3A_611 = vector.shape_cast %get3A_610 : vector<1x16xf32> to vector<16xf32>
      %gt3A_612 = arith.cmpf ogt, %get3A_611, %select_n3A_603 : vector<16xf32>
      %select_n3A_613 = arith.select %gt3A_612, %get3A_611, %select_n3A_603 : vector<16xi1>, vector<16xf32>
      %jit3A_614 = arith.constant 61 : i32
      %broadcast_in_dim3A_615 = vector.broadcast %jit3A_614 : i32 to vector<16xi32>
      %select_n3A_616 = arith.select %gt3A_612, %broadcast_in_dim3A_615, %select_n3A_606 : vector<16xi1>, vector<16xi32>
      %get3A_617 = arith.constant 62 : i32
      %get3A_618 = arith.index_cast %get3A_617 : i32 to index
      %get3A_619 = arith.constant 0 : index
      %get3A_620 = tpu.vector_load %arg4[%get3A_618, %get3A_619] {strides = array<i32>} : memref<65x16xf32, #tpu.memory_space<vmem>>, vector<1x16xf32>,
      %get3A_621 = vector.shape_cast %get3A_620 : vector<1x16xf32> to vector<16xf32>
      %gt3A_622 = arith.cmpf ogt, %get3A_621, %select_n3A_613 : vector<16xf32>
      %select_n3A_623 = arith.select %gt3A_622, %get3A_621, %select_n3A_613 : vector<16xi1>, vector<16xf32>
      %jit3A_624 = arith.constant 62 : i32
      %broadcast_in_dim3A_625 = vector.broadcast %jit3A_624 : i32 to vector<16xi32>
      %select_n3A_626 = arith.select %gt3A_622, %broadcast_in_dim3A_625, %select_n3A_616 : vector<16xi1>, vector<16xi32>
      %get3A_627 = arith.constant 63 : i32
      %get3A_628 = arith.index_cast %get3A_627 : i32 to index
      %get3A_629 = arith.constant 0 : index
      %get3A_630 = tpu.vector_load %arg4[%get3A_628, %get3A_629] {strides = array<i32>} : memref<65x16xf32, #tpu.memory_space<vmem>>, vector<1x16xf32>,
      %get3A_631 = vector.shape_cast %get3A_630 : vector<1x16xf32> to vector<16xf32>
      %gt3A_632 = arith.cmpf ogt, %get3A_631, %select_n3A_623 : vector<16xf32>
      %select_n3A_633 = arith.select %gt3A_632, %get3A_631, %select_n3A_623 : vector<16xi1>, vector<16xf32>
      %jit3A_634 = arith.constant 63 : i32
      %broadcast_in_dim3A_635 = vector.broadcast %jit3A_634 : i32 to vector<16xi32>
      %select_n3A_636 = arith.select %gt3A_632, %broadcast_in_dim3A_635, %select_n3A_626 : vector<16xi1>, vector<16xi32>
      %get3A_637 = arith.constant 64 : i32
      %get3A_638 = arith.index_cast %get3A_637 : i32 to index
      %get3A_639 = arith.constant 0 : index
      %get3A_640 = tpu.vector_load %arg4[%get3A_638, %get3A_639] {strides = array<i32>} : memref<65x16xf32, #tpu.memory_space<vmem>>, vector<1x16xf32>,
      %get3A_641 = vector.shape_cast %get3A_640 : vector<1x16xf32> to vector<16xf32>
      %gt3A_642 = arith.cmpf ogt, %get3A_641, %select_n3A_633 : vector<16xf32>
      %select_n3A_643 = arith.select %gt3A_642, %get3A_641, %select_n3A_633 : vector<16xi1>, vector<16xf32>
      %jit3A_644 = arith.constant 64 : i32
      %broadcast_in_dim3A_645 = vector.broadcast %jit3A_644 : i32 to vector<16xi32>
      %select_n3A_646 = arith.select %gt3A_642, %broadcast_in_dim3A_645, %select_n3A_636 : vector<16xi1>, vector<16xi32>
      %sub3A = arith.constant 1 : i32
      %sub3A_647 = vector.broadcast %sub3A : i32 to vector<16xi32>
      %sub3A_648 = arith.subi %select_n3A_646, %sub3A_647 : vector<16xi32>
      %swap3A = arith.constant 0 : index
      %swap3A_649 = tpu.vector_load %arg5[%swap3A] {strides = array<i32>} : memref<16xi32, #tpu.memory_space<vmem>>, vector<16xi32>,
      %swap3A_650 = vector.shape_cast %swap3A_649 : vector<16xi32> to vector<16xi32>
      %swap3A_651 = vector.shape_cast %sub3A_648 : vector<16xi32> to vector<16xi32>
      tpu.vector_store %arg5[%swap3A], %swap3A_651 {strides = array<i32>} : memref<16xi32, #tpu.memory_space<vmem>>, vector<16xi32>,
      "tpu.region"() ({
        %run_scoped3A = tpu.sem_alloc : memref<!tpu.dma_semaphore, #tpu.memory_space<semaphore_mem>>
        %dma_start3A = tpu.memref_slice %arg3[%mul3A_4] : memref<256xi32, #tpu.memory_space<hbm>> -> memref<16xi32, #tpu.memory_space<hbm>>
        %dma_start3A_652 = tpu.memref_slice %arg3[%mul3A_4] : memref<256xi32, #tpu.memory_space<hbm>> -> memref<16xi32, #tpu.memory_space<hbm>>
        tpu.enqueue_dma source(%arg5 : memref<16xi32, #tpu.memory_space<vmem>>) target(%dma_start3A_652 : memref<16xi32, #tpu.memory_space<hbm>>) target_semaphore(%run_scoped3A : memref<!tpu.dma_semaphore, #tpu.memory_space<semaphore_mem>>)
        %dma_wait3A = tpu.memref_slice %arg3[%mul3A_4] : memref<256xi32, #tpu.memory_space<hbm>> -> memref<16xi32, #tpu.memory_space<hbm>>
        %dma_wait3A_653 = tpu.memref_slice %arg3[%mul3A_4] : memref<256xi32, #tpu.memory_space<hbm>> -> memref<16xi32, #tpu.memory_space<hbm>>
        tpu.wait_dma2 semaphore(%run_scoped3A : memref<!tpu.dma_semaphore, #tpu.memory_space<semaphore_mem>>) src(%arg5 : memref<16xi32, #tpu.memory_space<vmem>>) dst(%dma_wait3A_653 : memref<16xi32, #tpu.memory_space<hbm>>)
        tpu.yield
      }) : () -> ()
    } else {
    }
    return
  }
}

module attributes {stable_mosaic.version = 14 : i64} {
  func.func @_prep_body(%arg0: memref<256x1024xf32, #tpu.memory_space<vmem>>, %arg1: memref<256x1xi32, #tpu.memory_space<vmem>>, %arg2: memref<1x256xi32, #tpu.memory_space<vmem>>, %arg3: memref<1x1024xf32, #tpu.memory_space<vmem>>, %arg4: memref<1x1024xf32, #tpu.memory_space<vmem>>, %arg5: memref<1024x1024xf32, #tpu.memory_space<vmem>>, %arg6: memref<1x1024xf32, #tpu.memory_space<vmem>>, %arg7: memref<256x1024xf32, #tpu.memory_space<vmem>>, %arg8: memref<704x1024xf32, #tpu.memory_space<vmem>>, %arg9: memref<256x1xf32, #tpu.memory_space<vmem>>, %arg10: memref<1x88xi32, #tpu.memory_space<vmem>>, %arg11: memref<256x704xf32, #tpu.memory_space<vmem>>) attributes {dimension_semantics = [], scalar_prefetch = 0 : i64, scratch_operands = 0 : i64, tpu.core_type = #tpu.core_type<tc>} {
    %get3A = arith.constant 0 : index
    %get3A_0 = arith.constant 0 : index
    %get3A_1 = vector.load %arg0[%get3A, %get3A_0] : memref<256x1024xf32, #tpu.memory_space<vmem>>, vector<256x1024xf32>
    %get3A_2 = arith.constant 0 : index
    %get3A_3 = arith.constant 0 : index
    %get3A_4 = vector.load %arg3[%get3A_2, %get3A_3] : memref<1x1024xf32, #tpu.memory_space<vmem>>, vector<1x1024xf32>
    %get3A_5 = arith.constant 0 : index
    %get3A_6 = arith.constant 0 : index
    %get3A_7 = vector.load %arg4[%get3A_5, %get3A_6] : memref<1x1024xf32, #tpu.memory_space<vmem>>, vector<1x1024xf32>
    %reduce_sum3A = arith.constant dense<0.000000e+00> : vector<256xf32>
    %reduce_sum3A_8 = vector.multi_reduction <add>, %get3A_1, %reduce_sum3A [1] : vector<256x1024xf32> to vector<256xf32>
    %broadcast_in_dim3A = vector.shape_cast %reduce_sum3A_8 : vector<256xf32> to vector<256x1xf32>
    %div3A = arith.constant 1.024000e+03 : f32
    %div3A_9 = vector.broadcast %div3A : f32 to vector<256x1xf32>
    %div3A_10 = arith.divf %broadcast_in_dim3A, %div3A_9 : vector<256x1xf32>
    %sub3A = vector.broadcast %div3A_10 : vector<256x1xf32> to vector<256x1024xf32>
    %sub3A_11 = arith.subf %get3A_1, %sub3A : vector<256x1024xf32>
    %integer_pow3A = arith.mulf %sub3A_11, %sub3A_11 : vector<256x1024xf32>
    %reduce_sum3A_12 = arith.constant dense<0.000000e+00> : vector<256xf32>
    %reduce_sum3A_13 = vector.multi_reduction <add>, %integer_pow3A, %reduce_sum3A_12 [1] : vector<256x1024xf32> to vector<256xf32>
    %broadcast_in_dim3A_14 = vector.shape_cast %reduce_sum3A_13 : vector<256xf32> to vector<256x1xf32>
    %div3A_15 = arith.constant 1.024000e+03 : f32
    %div3A_16 = vector.broadcast %div3A_15 : f32 to vector<256x1xf32>
    %div3A_17 = arith.divf %broadcast_in_dim3A_14, %div3A_16 : vector<256x1xf32>
    %sub3A_18 = vector.broadcast %div3A_10 : vector<256x1xf32> to vector<256x1024xf32>
    %sub3A_19 = arith.subf %get3A_1, %sub3A_18 : vector<256x1024xf32>
    %add3A = arith.constant 9.99999974E-6 : f32
    %add3A_20 = vector.broadcast %add3A : f32 to vector<256x1xf32>
    %add3A_21 = arith.addf %div3A_17, %add3A_20 : vector<256x1xf32>
    %sqrt3A = math.sqrt %add3A_21 : vector<256x1xf32>
    %div3A_22 = vector.broadcast %sqrt3A : vector<256x1xf32> to vector<256x1024xf32>
    %div3A_23 = arith.divf %sub3A_19, %div3A_22 : vector<256x1024xf32>
    %mul3A = vector.broadcast %get3A_4 : vector<1x1024xf32> to vector<256x1024xf32>
    %mul3A_24 = arith.mulf %div3A_23, %mul3A : vector<256x1024xf32>
    %add3A_25 = vector.broadcast %get3A_7 : vector<1x1024xf32> to vector<256x1024xf32>
    %add3A_26 = arith.addf %mul3A_24, %add3A_25 : vector<256x1024xf32>
    %swap3A = arith.constant 0 : index
    %swap3A_27 = arith.constant 0 : index
    %swap3A_28 = vector.load %arg7[%swap3A, %swap3A_27] : memref<256x1024xf32, #tpu.memory_space<vmem>>, vector<256x1024xf32>
    tpu.vector_store %arg7[%swap3A, %swap3A_27], %add3A_26 {strides = array<i32>} : memref<256x1024xf32, #tpu.memory_space<vmem>>, vector<256x1024xf32>,
    %get3A_29 = arith.constant 0 : index
    %get3A_30 = arith.constant 0 : index
    %get3A_31 = vector.load %arg5[%get3A_29, %get3A_30] : memref<1024x1024xf32, #tpu.memory_space<vmem>>, vector<1024x1024xf32>
    %dot_general3A = arith.constant dense<0.000000e+00> : vector<256x1024xf32>
    %dot_general3A_32 = tpu.matmul %add3A_26, %get3A_31, %dot_general3A {dimension_numbers = #tpu.dot_dimension_numbers<[1], [0], [0], [1], [0, 0, 1, 1], [], []>, transpose_lhs_hint = false} : vector<256x1024xf32>, vector<1024x1024xf32>, vector<256x1024xf32> -> vector<256x1024xf32>
    %get3A_33 = arith.constant 0 : index
    %get3A_34 = arith.constant 0 : index
    %get3A_35 = vector.load %arg6[%get3A_33, %get3A_34] : memref<1x1024xf32, #tpu.memory_space<vmem>>, vector<1x1024xf32>
    %add3A_36 = vector.broadcast %get3A_35 : vector<1x1024xf32> to vector<256x1024xf32>
    %add3A_37 = arith.addf %dot_general3A_32, %add3A_36 : vector<256x1024xf32>
    %get3A_38 = arith.constant 0 : index
    %get3A_39 = arith.constant 0 : index
    %get3A_40 = vector.load %arg1[%get3A_38, %get3A_39] : memref<256x1xi32, #tpu.memory_space<vmem>>, vector<256x1xi32>
    %max3A = arith.constant 0 : i32
    %max3A_41 = vector.broadcast %max3A : i32 to vector<256x1xi32>
    %max3A_42 = arith.maxsi %get3A_40, %max3A_41 : vector<256x1xi32>
    %get3A_43 = arith.constant 0 : index
    %get3A_44 = arith.constant 0 : index
    %get3A_45 = vector.load %arg1[%get3A_43, %get3A_44] : memref<256x1xi32, #tpu.memory_space<vmem>>, vector<256x1xi32>
    %ge3A = arith.constant 0 : i32
    %ge3A_46 = vector.broadcast %ge3A : i32 to vector<256x1xi32>
    %ge3A_47 = arith.cmpi sge, %get3A_45, %ge3A_46 : vector<256x1xi32>
    %convert_element_type3A = arith.extui %ge3A_47 : vector<256x1xi1> to vector<256x1xi32>
    %convert_element_type3A_48 = arith.sitofp %convert_element_type3A : vector<256x1xi32> to vector<256x1xf32>
    %swap3A_49 = arith.constant 0 : index
    %swap3A_50 = arith.constant 0 : index
    %swap3A_51 = vector.load %arg9[%swap3A_49, %swap3A_50] : memref<256x1xf32, #tpu.memory_space<vmem>>, vector<256x1xf32>
    tpu.vector_store %arg9[%swap3A_49, %swap3A_50], %convert_element_type3A_48 {strides = array<i32>} : memref<256x1xf32, #tpu.memory_space<vmem>>, vector<256x1xf32>,
    %get3A_52 = arith.constant 0 : index
    %get3A_53 = arith.constant 0 : index
    %get3A_54 = vector.load %arg2[%get3A_52, %get3A_53] : memref<1x256xi32, #tpu.memory_space<vmem>>, vector<1x256xi32>
    %max3A_55 = arith.constant 0 : i32
    %max3A_56 = vector.broadcast %max3A_55 : i32 to vector<1x256xi32>
    %max3A_57 = arith.maxsi %get3A_54, %max3A_56 : vector<1x256xi32>
    %iota3A = tpu.iota {dimensions = array<i32: 0>} : vector<256x256xi32>
    %iota3A_58 = tpu.iota {dimensions = array<i32: 1>} : vector<256x256xi32>
    %lt3A = vector.broadcast %max3A_57 : vector<1x256xi32> to vector<256x256xi32>
    %lt3A_59 = vector.broadcast %max3A_42 : vector<256x1xi32> to vector<256x256xi32>
    %lt3A_60 = arith.cmpi slt, %lt3A, %lt3A_59 : vector<256x256xi32>
    %eq3A = vector.broadcast %max3A_57 : vector<1x256xi32> to vector<256x256xi32>
    %eq3A_61 = vector.broadcast %max3A_42 : vector<256x1xi32> to vector<256x256xi32>
    %eq3A_62 = arith.cmpi eq, %eq3A, %eq3A_61 : vector<256x256xi32>
    %lt3A_63 = arith.cmpi slt, %iota3A_58, %iota3A : vector<256x256xi32>
    %and3A = arith.andi %eq3A_62, %lt3A_63 : vector<256x256xi1>
    %or3A = arith.ori %lt3A_60, %and3A : vector<256x256xi1>
    %convert_element_type3A_64 = arith.extui %or3A : vector<256x256xi1> to vector<256x256xi32>
    %reduce_sum3A_65 = arith.constant dense<0> : vector<256xi32>
    %reduce_sum3A_66 = vector.multi_reduction <add>, %convert_element_type3A_64, %reduce_sum3A_65 [1] : vector<256x256xi32> to vector<256xi32>
    %broadcast_in_dim3A_67 = vector.shape_cast %reduce_sum3A_66 : vector<256xi32> to vector<256x1xi32>
    %lt3A_68 = vector.broadcast %max3A_42 : vector<256x1xi32> to vector<256x256xi32>
    %lt3A_69 = vector.broadcast %max3A_57 : vector<1x256xi32> to vector<256x256xi32>
    %lt3A_70 = arith.cmpi slt, %lt3A_68, %lt3A_69 : vector<256x256xi32>
    %eq3A_71 = vector.broadcast %max3A_42 : vector<256x1xi32> to vector<256x256xi32>
    %eq3A_72 = vector.broadcast %max3A_57 : vector<1x256xi32> to vector<256x256xi32>
    %eq3A_73 = arith.cmpi eq, %eq3A_71, %eq3A_72 : vector<256x256xi32>
    %lt3A_74 = arith.cmpi slt, %iota3A, %iota3A_58 : vector<256x256xi32>
    %and3A_75 = arith.andi %eq3A_73, %lt3A_74 : vector<256x256xi1>
    %or3A_76 = arith.ori %lt3A_70, %and3A_75 : vector<256x256xi1>
    %convert_element_type3A_77 = arith.extui %or3A_76 : vector<256x256xi1> to vector<256x256xi32>
    %reduce_sum3A_78 = arith.constant dense<0> : vector<256xi32>
    %reduce_sum3A_79 = vector.multi_reduction <add>, %convert_element_type3A_77, %reduce_sum3A_78 [0] : vector<256x256xi32> to vector<256xi32>
    %broadcast_in_dim3A_80 = vector.shape_cast %reduce_sum3A_79 : vector<256xi32> to vector<1x256xi32>
    %iota3A_81 = tpu.iota {dimensions = array<i32: 0>} : vector<64x256xi32>
    %eq3A_82 = vector.broadcast %max3A_57 : vector<1x256xi32> to vector<64x256xi32>
    %eq3A_83 = arith.cmpi eq, %eq3A_82, %iota3A_81 : vector<64x256xi32>
    %convert_element_type3A_84 = arith.extui %eq3A_83 : vector<64x256xi1> to vector<64x256xi32>
    %reduce_sum3A_85 = arith.constant dense<0> : vector<64xi32>
    %reduce_sum3A_86 = vector.multi_reduction <add>, %convert_element_type3A_84, %reduce_sum3A_85 [1] : vector<64x256xi32> to vector<64xi32>
    %broadcast_in_dim3A_87 = vector.shape_cast %reduce_sum3A_86 : vector<64xi32> to vector<64x1xi32>
    %lt3A_88 = vector.broadcast %max3A_57 : vector<1x256xi32> to vector<64x256xi32>
    %lt3A_89 = arith.cmpi slt, %lt3A_88, %iota3A_81 : vector<64x256xi32>
    %convert_element_type3A_90 = arith.extui %lt3A_89 : vector<64x256xi1> to vector<64x256xi32>
    %reduce_sum3A_91 = arith.constant dense<0> : vector<64xi32>
    %reduce_sum3A_92 = vector.multi_reduction <add>, %convert_element_type3A_90, %reduce_sum3A_91 [1] : vector<64x256xi32> to vector<64xi32>
    %broadcast_in_dim3A_93 = vector.shape_cast %reduce_sum3A_92 : vector<64xi32> to vector<64x1xi32>
    %iota3A_94 = tpu.iota {dimensions = array<i32: 1>} : vector<256x64xi32>
    %eq3A_95 = vector.broadcast %max3A_42 : vector<256x1xi32> to vector<256x64xi32>
    %eq3A_96 = arith.cmpi eq, %eq3A_95, %iota3A_94 : vector<256x64xi32>
    %convert_element_type3A_97 = arith.extui %eq3A_96 : vector<256x64xi1> to vector<256x64xi32>
    %reduce_sum3A_98 = arith.constant dense<0> : vector<64xi32>
    %reduce_sum3A_99 = vector.multi_reduction <add>, %convert_element_type3A_97, %reduce_sum3A_98 [0] : vector<256x64xi32> to vector<64xi32>
    %broadcast_in_dim3A_100 = vector.shape_cast %reduce_sum3A_99 : vector<64xi32> to vector<1x64xi32>
    %lt3A_101 = vector.broadcast %max3A_42 : vector<256x1xi32> to vector<256x64xi32>
    %lt3A_102 = arith.cmpi slt, %lt3A_101, %iota3A_94 : vector<256x64xi32>
    %convert_element_type3A_103 = arith.extui %lt3A_102 : vector<256x64xi1> to vector<256x64xi32>
    %reduce_sum3A_104 = arith.constant dense<0> : vector<64xi32>
    %reduce_sum3A_105 = vector.multi_reduction <add>, %convert_element_type3A_103, %reduce_sum3A_104 [0] : vector<256x64xi32> to vector<64xi32>
    %broadcast_in_dim3A_106 = vector.shape_cast %reduce_sum3A_105 : vector<64xi32> to vector<1x64xi32>
    %add3A_107 = arith.constant 7 : i32
    %add3A_108 = vector.broadcast %add3A_107 : i32 to vector<64x1xi32>
    %add3A_109 = arith.addi %broadcast_in_dim3A_87, %add3A_108 : vector<64x1xi32>
    %jit3A = arith.constant 8 : i32
    %div3A_110 = vector.broadcast %jit3A : i32 to vector<64x1xi32>
    %div3A_111 = arith.divsi %add3A_109, %div3A_110 : vector<64x1xi32>
    %sign3A = arith.constant 0 : i32
    %sign3A_112 = vector.broadcast %sign3A : i32 to vector<64x1xi32>
    %sign3A_113 = arith.cmpi sgt, %add3A_109, %sign3A_112 : vector<64x1xi32>
    %sign3A_114 = arith.extui %sign3A_113 : vector<64x1xi1> to vector<64x1xi32>
    %sign3A_115 = arith.constant 0 : i32
    %sign3A_116 = vector.broadcast %sign3A_115 : i32 to vector<64x1xi32>
    %sign3A_117 = arith.cmpi slt, %add3A_109, %sign3A_116 : vector<64x1xi32>
    %sign3A_118 = arith.extui %sign3A_117 : vector<64x1xi1> to vector<64x1xi32>
    %sign3A_119 = arith.subi %sign3A_114, %sign3A_118 : vector<64x1xi32>
    %sign3A_120 = arith.constant 0 : i32
    %sign3A_121 = arith.cmpi sgt, %jit3A, %sign3A_120 : i32
    %sign3A_122 = arith.extui %sign3A_121 : i1 to i32
    %sign3A_123 = arith.constant 0 : i32
    %sign3A_124 = arith.cmpi slt, %jit3A, %sign3A_123 : i32
    %sign3A_125 = arith.extui %sign3A_124 : i1 to i32
    %sign3A_126 = arith.subi %sign3A_122, %sign3A_125 : i32
    %ne3A = vector.broadcast %sign3A_126 : i32 to vector<64x1xi32>
    %ne3A_127 = arith.cmpi ne, %sign3A_119, %ne3A : vector<64x1xi32>
    %rem3A = vector.broadcast %jit3A : i32 to vector<64x1xi32>
    %rem3A_128 = arith.remsi %add3A_109, %rem3A : vector<64x1xi32>
    %ne3A_129 = arith.constant 0 : i32
    %ne3A_130 = vector.broadcast %ne3A_129 : i32 to vector<64x1xi32>
    %ne3A_131 = arith.cmpi ne, %rem3A_128, %ne3A_130 : vector<64x1xi32>
    %and3A_132 = arith.andi %ne3A_127, %ne3A_131 : vector<64x1xi1>
    %sub3A_133 = arith.constant 1 : i32
    %sub3A_134 = vector.broadcast %sub3A_133 : i32 to vector<64x1xi32>
    %sub3A_135 = arith.subi %div3A_111, %sub3A_134 : vector<64x1xi32>
    %select_n3A = arith.select %and3A_132, %sub3A_135, %div3A_111 : vector<64x1xi1>, vector<64x1xi32>
    %add3A_136 = arith.constant 7 : i32
    %add3A_137 = vector.broadcast %add3A_136 : i32 to vector<1x64xi32>
    %add3A_138 = arith.addi %broadcast_in_dim3A_100, %add3A_137 : vector<1x64xi32>
    %jit3A_139 = arith.constant 8 : i32
    %div3A_140 = vector.broadcast %jit3A_139 : i32 to vector<1x64xi32>
    %div3A_141 = arith.divsi %add3A_138, %div3A_140 : vector<1x64xi32>
    %sign3A_142 = arith.constant 0 : i32
    %sign3A_143 = vector.broadcast %sign3A_142 : i32 to vector<1x64xi32>
    %sign3A_144 = arith.cmpi sgt, %add3A_138, %sign3A_143 : vector<1x64xi32>
    %sign3A_145 = arith.extui %sign3A_144 : vector<1x64xi1> to vector<1x64xi32>
    %sign3A_146 = arith.constant 0 : i32
    %sign3A_147 = vector.broadcast %sign3A_146 : i32 to vector<1x64xi32>
    %sign3A_148 = arith.cmpi slt, %add3A_138, %sign3A_147 : vector<1x64xi32>
    %sign3A_149 = arith.extui %sign3A_148 : vector<1x64xi1> to vector<1x64xi32>
    %sign3A_150 = arith.subi %sign3A_145, %sign3A_149 : vector<1x64xi32>
    %sign3A_151 = arith.constant 0 : i32
    %sign3A_152 = arith.cmpi sgt, %jit3A_139, %sign3A_151 : i32
    %sign3A_153 = arith.extui %sign3A_152 : i1 to i32
    %sign3A_154 = arith.constant 0 : i32
    %sign3A_155 = arith.cmpi slt, %jit3A_139, %sign3A_154 : i32
    %sign3A_156 = arith.extui %sign3A_155 : i1 to i32
    %sign3A_157 = arith.subi %sign3A_153, %sign3A_156 : i32
    %ne3A_158 = vector.broadcast %sign3A_157 : i32 to vector<1x64xi32>
    %ne3A_159 = arith.cmpi ne, %sign3A_150, %ne3A_158 : vector<1x64xi32>
    %rem3A_160 = vector.broadcast %jit3A_139 : i32 to vector<1x64xi32>
    %rem3A_161 = arith.remsi %add3A_138, %rem3A_160 : vector<1x64xi32>
    %ne3A_162 = arith.constant 0 : i32
    %ne3A_163 = vector.broadcast %ne3A_162 : i32 to vector<1x64xi32>
    %ne3A_164 = arith.cmpi ne, %rem3A_161, %ne3A_163 : vector<1x64xi32>
    %and3A_165 = arith.andi %ne3A_159, %ne3A_164 : vector<1x64xi1>
    %sub3A_166 = arith.constant 1 : i32
    %sub3A_167 = vector.broadcast %sub3A_166 : i32 to vector<1x64xi32>
    %sub3A_168 = arith.subi %div3A_141, %sub3A_167 : vector<1x64xi32>
    %select_n3A_169 = arith.select %and3A_165, %sub3A_168, %div3A_141 : vector<1x64xi1>, vector<1x64xi32>
    %iota3A_170 = tpu.iota {dimensions = array<i32: 0>} : vector<64x64xi32>
    %iota3A_171 = tpu.iota {dimensions = array<i32: 1>} : vector<64x64xi32>
    %lt3A_172 = arith.cmpi slt, %iota3A_171, %iota3A_170 : vector<64x64xi32>
    %jit3A_173 = arith.constant 0 : i32
    %broadcast_in_dim3A_174 = vector.shape_cast %select_n3A_169 : vector<1x64xi32> to vector<1x64xi32>
    %broadcast_in_dim3A_175 = vector.broadcast %broadcast_in_dim3A_174 : vector<1x64xi32> to vector<64x64xi32>
    %broadcast_in_dim3A_176 = vector.broadcast %jit3A_173 : i32 to vector<64x64xi32>
    %select_n3A_177 = arith.select %lt3A_172, %broadcast_in_dim3A_175, %broadcast_in_dim3A_176 : vector<64x64xi1>, vector<64x64xi32>
    %reduce_sum3A_178 = arith.constant dense<0> : vector<64xi32>
    %reduce_sum3A_179 = vector.multi_reduction <add>, %select_n3A_177, %reduce_sum3A_178 [1] : vector<64x64xi32> to vector<64xi32>
    %broadcast_in_dim3A_180 = vector.shape_cast %reduce_sum3A_179 : vector<64xi32> to vector<64x1xi32>
    %add3A_181 = arith.addi %broadcast_in_dim3A_180, %select_n3A : vector<64x1xi32>
    %lt3A_182 = arith.cmpi slt, %iota3A_170, %iota3A_171 : vector<64x64xi32>
    %jit3A_183 = arith.constant 0 : i32
    %broadcast_in_dim3A_184 = vector.shape_cast %select_n3A : vector<64x1xi32> to vector<64x1xi32>
    %broadcast_in_dim3A_185 = vector.broadcast %broadcast_in_dim3A_184 : vector<64x1xi32> to vector<64x64xi32>
    %broadcast_in_dim3A_186 = vector.broadcast %jit3A_183 : i32 to vector<64x64xi32>
    %select_n3A_187 = arith.select %lt3A_182, %broadcast_in_dim3A_185, %broadcast_in_dim3A_186 : vector<64x64xi1>, vector<64x64xi32>
    %reduce_sum3A_188 = arith.constant dense<0> : vector<64xi32>
    %reduce_sum3A_189 = vector.multi_reduction <add>, %select_n3A_187, %reduce_sum3A_188 [0] : vector<64x64xi32> to vector<64xi32>
    %broadcast_in_dim3A_190 = vector.shape_cast %reduce_sum3A_189 : vector<64xi32> to vector<1x64xi32>
    %add3A_191 = arith.addi %broadcast_in_dim3A_190, %select_n3A_169 : vector<1x64xi32>
    %iota3A_192 = tpu.iota {dimensions = array<i32: 1>} : vector<64x88xi32>
    %le3A = vector.broadcast %add3A_181 : vector<64x1xi32> to vector<64x88xi32>
    %le3A_193 = arith.cmpi sle, %le3A, %iota3A_192 : vector<64x88xi32>
    %convert_element_type3A_194 = arith.extui %le3A_193 : vector<64x88xi1> to vector<64x88xi32>
    %reduce_sum3A_195 = arith.constant dense<0> : vector<88xi32>
    %reduce_sum3A_196 = vector.multi_reduction <add>, %convert_element_type3A_194, %reduce_sum3A_195 [0] : vector<64x88xi32> to vector<88xi32>
    %broadcast_in_dim3A_197 = vector.shape_cast %reduce_sum3A_196 : vector<88xi32> to vector<1x88xi32>
    %min3A = arith.constant 63 : i32
    %min3A_198 = vector.broadcast %min3A : i32 to vector<1x88xi32>
    %min3A_199 = arith.minsi %broadcast_in_dim3A_197, %min3A_198 : vector<1x88xi32>
    %swap3A_200 = arith.constant 0 : index
    %swap3A_201 = arith.constant 0 : index
    %swap3A_202 = vector.load %arg10[%swap3A_200, %swap3A_201] : memref<1x88xi32, #tpu.memory_space<vmem>>, vector<1x88xi32>
    tpu.vector_store %arg10[%swap3A_200, %swap3A_201], %min3A_199 {strides = array<i32>} : memref<1x88xi32, #tpu.memory_space<vmem>>, vector<1x88xi32>,
    %iota3A_203 = tpu.iota {dimensions = array<i32: 1>} : vector<1x704xi32>
    %jit3A_204 = arith.constant 8 : i32
    %div3A_205 = vector.broadcast %jit3A_204 : i32 to vector<1x704xi32>
    %div3A_206 = arith.divsi %iota3A_203, %div3A_205 : vector<1x704xi32>
    %sign3A_207 = arith.constant 0 : i32
    %sign3A_208 = vector.broadcast %sign3A_207 : i32 to vector<1x704xi32>
    %sign3A_209 = arith.cmpi sgt, %iota3A_203, %sign3A_208 : vector<1x704xi32>
    %sign3A_210 = arith.extui %sign3A_209 : vector<1x704xi1> to vector<1x704xi32>
    %sign3A_211 = arith.constant 0 : i32
    %sign3A_212 = vector.broadcast %sign3A_211 : i32 to vector<1x704xi32>
    %sign3A_213 = arith.cmpi slt, %iota3A_203, %sign3A_212 : vector<1x704xi32>
    %sign3A_214 = arith.extui %sign3A_213 : vector<1x704xi1> to vector<1x704xi32>
    %sign3A_215 = arith.subi %sign3A_210, %sign3A_214 : vector<1x704xi32>
    %sign3A_216 = arith.constant 0 : i32
    %sign3A_217 = arith.cmpi sgt, %jit3A_204, %sign3A_216 : i32
    %sign3A_218 = arith.extui %sign3A_217 : i1 to i32
    %sign3A_219 = arith.constant 0 : i32
    %sign3A_220 = arith.cmpi slt, %jit3A_204, %sign3A_219 : i32
    %sign3A_221 = arith.extui %sign3A_220 : i1 to i32
    %sign3A_222 = arith.subi %sign3A_218, %sign3A_221 : i32
    %ne3A_223 = vector.broadcast %sign3A_222 : i32 to vector<1x704xi32>
    %ne3A_224 = arith.cmpi ne, %sign3A_215, %ne3A_223 : vector<1x704xi32>
    %rem3A_225 = vector.broadcast %jit3A_204 : i32 to vector<1x704xi32>
    %rem3A_226 = arith.remsi %iota3A_203, %rem3A_225 : vector<1x704xi32>
    %ne3A_227 = arith.constant 0 : i32
    %ne3A_228 = vector.broadcast %ne3A_227 : i32 to vector<1x704xi32>
    %ne3A_229 = arith.cmpi ne, %rem3A_226, %ne3A_228 : vector<1x704xi32>
    %and3A_230 = arith.andi %ne3A_224, %ne3A_229 : vector<1x704xi1>
    %sub3A_231 = arith.constant 1 : i32
    %sub3A_232 = vector.broadcast %sub3A_231 : i32 to vector<1x704xi32>
    %sub3A_233 = arith.subi %div3A_206, %sub3A_232 : vector<1x704xi32>
    %select_n3A_234 = arith.select %and3A_230, %sub3A_233, %div3A_206 : vector<1x704xi1>, vector<1x704xi32>
    %jit3A_235 = arith.constant 8 : i32
    %eq3A_236 = arith.constant 0 : i32
    %eq3A_237 = arith.cmpi eq, %jit3A_235, %eq3A_236 : i32
    %jit3A_238 = arith.constant 1 : i32
    %select_n3A_239 = arith.select %eq3A_237, %jit3A_238, %jit3A_235 : i32
    %rem3A_240 = vector.broadcast %select_n3A_239 : i32 to vector<1x704xi32>
    %rem3A_241 = arith.remsi %iota3A_203, %rem3A_240 : vector<1x704xi32>
    %ne3A_242 = arith.constant 0 : i32
    %ne3A_243 = vector.broadcast %ne3A_242 : i32 to vector<1x704xi32>
    %ne3A_244 = arith.cmpi ne, %rem3A_241, %ne3A_243 : vector<1x704xi32>
    %lt3A_245 = arith.constant 0 : i32
    %lt3A_246 = vector.broadcast %lt3A_245 : i32 to vector<1x704xi32>
    %lt3A_247 = arith.cmpi slt, %rem3A_241, %lt3A_246 : vector<1x704xi32>
    %lt3A_248 = arith.constant 0 : i32
    %lt3A_249 = arith.cmpi slt, %select_n3A_239, %lt3A_248 : i32
    %ne3A_250 = vector.broadcast %lt3A_249 : i1 to vector<1x704xi1>
    %ne3A_251 = vector.broadcast %ne3A_250 : vector<1x704xi1> to vector<1x704xi1>
    %ne3A_252 = arith.xori %lt3A_247, %ne3A_251 : vector<1x704xi1>
    %and3A_253 = arith.andi %ne3A_252, %ne3A_244 : vector<1x704xi1>
    %add3A_254 = vector.broadcast %select_n3A_239 : i32 to vector<1x704xi32>
    %add3A_255 = arith.addi %rem3A_241, %add3A_254 : vector<1x704xi32>
    %select_n3A_256 = arith.select %and3A_253, %add3A_255, %rem3A_241 : vector<1x704xi1>, vector<1x704xi32>
    %iota3A_257 = tpu.iota {dimensions = array<i32: 0>} : vector<64x704xi32>
    %le3A_258 = vector.broadcast %add3A_181 : vector<64x1xi32> to vector<64x704xi32>
    %le3A_259 = vector.broadcast %select_n3A_234 : vector<1x704xi32> to vector<64x704xi32>
    %le3A_260 = arith.cmpi sle, %le3A_258, %le3A_259 : vector<64x704xi32>
    %convert_element_type3A_261 = arith.extui %le3A_260 : vector<64x704xi1> to vector<64x704xi32>
    %reduce_sum3A_262 = arith.constant dense<0> : vector<704xi32>
    %reduce_sum3A_263 = vector.multi_reduction <add>, %convert_element_type3A_261, %reduce_sum3A_262 [0] : vector<64x704xi32> to vector<704xi32>
    %broadcast_in_dim3A_264 = vector.shape_cast %reduce_sum3A_263 : vector<704xi32> to vector<1x704xi32>
    %min3A_265 = arith.constant 63 : i32
    %min3A_266 = vector.broadcast %min3A_265 : i32 to vector<1x704xi32>
    %min3A_267 = arith.minsi %broadcast_in_dim3A_264, %min3A_266 : vector<1x704xi32>
    %eq3A_268 = vector.broadcast %min3A_267 : vector<1x704xi32> to vector<64x704xi32>
    %eq3A_269 = arith.cmpi eq, %iota3A_257, %eq3A_268 : vector<64x704xi32>
    %jit3A_270 = arith.constant 0 : i32
    %broadcast_in_dim3A_271 = vector.shape_cast %broadcast_in_dim3A_180 : vector<64x1xi32> to vector<64x1xi32>
    %broadcast_in_dim3A_272 = vector.broadcast %broadcast_in_dim3A_271 : vector<64x1xi32> to vector<64x704xi32>
    %broadcast_in_dim3A_273 = vector.broadcast %jit3A_270 : i32 to vector<64x704xi32>
    %select_n3A_274 = arith.select %eq3A_269, %broadcast_in_dim3A_272, %broadcast_in_dim3A_273 : vector<64x704xi1>, vector<64x704xi32>
    %reduce_sum3A_275 = arith.constant dense<0> : vector<704xi32>
    %reduce_sum3A_276 = vector.multi_reduction <add>, %select_n3A_274, %reduce_sum3A_275 [0] : vector<64x704xi32> to vector<704xi32>
    %broadcast_in_dim3A_277 = vector.shape_cast %reduce_sum3A_276 : vector<704xi32> to vector<1x704xi32>
    %jit3A_278 = arith.constant 0 : i32
    %broadcast_in_dim3A_279 = vector.shape_cast %broadcast_in_dim3A_93 : vector<64x1xi32> to vector<64x1xi32>
    %broadcast_in_dim3A_280 = vector.broadcast %broadcast_in_dim3A_279 : vector<64x1xi32> to vector<64x704xi32>
    %broadcast_in_dim3A_281 = vector.broadcast %jit3A_278 : i32 to vector<64x704xi32>
    %select_n3A_282 = arith.select %eq3A_269, %broadcast_in_dim3A_280, %broadcast_in_dim3A_281 : vector<64x704xi1>, vector<64x704xi32>
    %reduce_sum3A_283 = arith.constant dense<0> : vector<704xi32>
    %reduce_sum3A_284 = vector.multi_reduction <add>, %select_n3A_282, %reduce_sum3A_283 [0] : vector<64x704xi32> to vector<704xi32>
    %broadcast_in_dim3A_285 = vector.shape_cast %reduce_sum3A_284 : vector<704xi32> to vector<1x704xi32>
    %jit3A_286 = arith.constant 0 : i32
    %broadcast_in_dim3A_287 = vector.shape_cast %broadcast_in_dim3A_87 : vector<64x1xi32> to vector<64x1xi32>
    %broadcast_in_dim3A_288 = vector.broadcast %broadcast_in_dim3A_287 : vector<64x1xi32> to vector<64x704xi32>
    %broadcast_in_dim3A_289 = vector.broadcast %jit3A_286 : i32 to vector<64x704xi32>
    %select_n3A_290 = arith.select %eq3A_269, %broadcast_in_dim3A_288, %broadcast_in_dim3A_289 : vector<64x704xi1>, vector<64x704xi32>
    %reduce_sum3A_291 = arith.constant dense<0> : vector<704xi32>
    %reduce_sum3A_292 = vector.multi_reduction <add>, %select_n3A_290, %reduce_sum3A_291 [0] : vector<64x704xi32> to vector<704xi32>
    %broadcast_in_dim3A_293 = vector.shape_cast %reduce_sum3A_292 : vector<704xi32> to vector<1x704xi32>
    %sub3A_294 = arith.subi %select_n3A_234, %broadcast_in_dim3A_277 : vector<1x704xi32>
    %mul3A_295 = arith.constant 8 : i32
    %mul3A_296 = vector.broadcast %mul3A_295 : i32 to vector<1x704xi32>
    %mul3A_297 = arith.muli %mul3A_296, %sub3A_294 : vector<1x704xi32>
    %add3A_298 = arith.addi %broadcast_in_dim3A_285, %mul3A_297 : vector<1x704xi32>
    %add3A_299 = arith.addi %add3A_298, %select_n3A_256 : vector<1x704xi32>
    %mul3A_300 = arith.constant 8 : i32
    %mul3A_301 = vector.broadcast %mul3A_300 : i32 to vector<1x704xi32>
    %mul3A_302 = arith.muli %mul3A_301, %sub3A_294 : vector<1x704xi32>
    %add3A_303 = arith.addi %mul3A_302, %select_n3A_256 : vector<1x704xi32>
    %lt3A_304 = arith.cmpi slt, %add3A_303, %broadcast_in_dim3A_293 : vector<1x704xi32>
    %iota3A_305 = tpu.iota {dimensions = array<i32: 0>} : vector<704x1xi32>
    %jit3A_306 = arith.constant 8 : i32
    %div3A_307 = vector.broadcast %jit3A_306 : i32 to vector<704x1xi32>
    %div3A_308 = arith.divsi %iota3A_305, %div3A_307 : vector<704x1xi32>
    %sign3A_309 = arith.constant 0 : i32
    %sign3A_310 = vector.broadcast %sign3A_309 : i32 to vector<704x1xi32>
    %sign3A_311 = arith.cmpi sgt, %iota3A_305, %sign3A_310 : vector<704x1xi32>
    %sign3A_312 = arith.extui %sign3A_311 : vector<704x1xi1> to vector<704x1xi32>
    %sign3A_313 = arith.constant 0 : i32
    %sign3A_314 = vector.broadcast %sign3A_313 : i32 to vector<704x1xi32>
    %sign3A_315 = arith.cmpi slt, %iota3A_305, %sign3A_314 : vector<704x1xi32>
    %sign3A_316 = arith.extui %sign3A_315 : vector<704x1xi1> to vector<704x1xi32>
    %sign3A_317 = arith.subi %sign3A_312, %sign3A_316 : vector<704x1xi32>
    %sign3A_318 = arith.constant 0 : i32
    %sign3A_319 = arith.cmpi sgt, %jit3A_306, %sign3A_318 : i32
    %sign3A_320 = arith.extui %sign3A_319 : i1 to i32
    %sign3A_321 = arith.constant 0 : i32
    %sign3A_322 = arith.cmpi slt, %jit3A_306, %sign3A_321 : i32
    %sign3A_323 = arith.extui %sign3A_322 : i1 to i32
    %sign3A_324 = arith.subi %sign3A_320, %sign3A_323 : i32
    %ne3A_325 = vector.broadcast %sign3A_324 : i32 to vector<704x1xi32>
    %ne3A_326 = arith.cmpi ne, %sign3A_317, %ne3A_325 : vector<704x1xi32>
    %rem3A_327 = vector.broadcast %jit3A_306 : i32 to vector<704x1xi32>
    %rem3A_328 = arith.remsi %iota3A_305, %rem3A_327 : vector<704x1xi32>
    %ne3A_329 = arith.constant 0 : i32
    %ne3A_330 = vector.broadcast %ne3A_329 : i32 to vector<704x1xi32>
    %ne3A_331 = arith.cmpi ne, %rem3A_328, %ne3A_330 : vector<704x1xi32>
    %and3A_332 = arith.andi %ne3A_326, %ne3A_331 : vector<704x1xi1>
    %sub3A_333 = arith.constant 1 : i32
    %sub3A_334 = vector.broadcast %sub3A_333 : i32 to vector<704x1xi32>
    %sub3A_335 = arith.subi %div3A_308, %sub3A_334 : vector<704x1xi32>
    %select_n3A_336 = arith.select %and3A_332, %sub3A_335, %div3A_308 : vector<704x1xi1>, vector<704x1xi32>
    %jit3A_337 = arith.constant 8 : i32
    %eq3A_338 = arith.constant 0 : i32
    %eq3A_339 = arith.cmpi eq, %jit3A_337, %eq3A_338 : i32
    %jit3A_340 = arith.constant 1 : i32
    %select_n3A_341 = arith.select %eq3A_339, %jit3A_340, %jit3A_337 : i32
    %rem3A_342 = vector.broadcast %select_n3A_341 : i32 to vector<704x1xi32>
    %rem3A_343 = arith.remsi %iota3A_305, %rem3A_342 : vector<704x1xi32>
    %ne3A_344 = arith.constant 0 : i32
    %ne3A_345 = vector.broadcast %ne3A_344 : i32 to vector<704x1xi32>
    %ne3A_346 = arith.cmpi ne, %rem3A_343, %ne3A_345 : vector<704x1xi32>
    %lt3A_347 = arith.constant 0 : i32
    %lt3A_348 = vector.broadcast %lt3A_347 : i32 to vector<704x1xi32>
    %lt3A_349 = arith.cmpi slt, %rem3A_343, %lt3A_348 : vector<704x1xi32>
    %lt3A_350 = arith.constant 0 : i32
    %lt3A_351 = arith.cmpi slt, %select_n3A_341, %lt3A_350 : i32
    %ne3A_352 = vector.broadcast %lt3A_351 : i1 to vector<704x1xi1>
    %ne3A_353 = vector.broadcast %ne3A_352 : vector<704x1xi1> to vector<704x1xi1>
    %ne3A_354 = arith.xori %lt3A_349, %ne3A_353 : vector<704x1xi1>
    %and3A_355 = arith.andi %ne3A_354, %ne3A_346 : vector<704x1xi1>
    %add3A_356 = vector.broadcast %select_n3A_341 : i32 to vector<704x1xi32>
    %add3A_357 = arith.addi %rem3A_343, %add3A_356 : vector<704x1xi32>
    %select_n3A_358 = arith.select %and3A_355, %add3A_357, %rem3A_343 : vector<704x1xi1>, vector<704x1xi32>
    %iota3A_359 = tpu.iota {dimensions = array<i32: 1>} : vector<704x64xi32>
    %le3A_360 = vector.broadcast %add3A_191 : vector<1x64xi32> to vector<704x64xi32>
    %le3A_361 = vector.broadcast %select_n3A_336 : vector<704x1xi32> to vector<704x64xi32>
    %le3A_362 = arith.cmpi sle, %le3A_360, %le3A_361 : vector<704x64xi32>
    %convert_element_type3A_363 = arith.extui %le3A_362 : vector<704x64xi1> to vector<704x64xi32>
    %reduce_sum3A_364 = arith.constant dense<0> : vector<704xi32>
    %reduce_sum3A_365 = vector.multi_reduction <add>, %convert_element_type3A_363, %reduce_sum3A_364 [1] : vector<704x64xi32> to vector<704xi32>
    %broadcast_in_dim3A_366 = vector.shape_cast %reduce_sum3A_365 : vector<704xi32> to vector<704x1xi32>
    %min3A_367 = arith.constant 63 : i32
    %min3A_368 = vector.broadcast %min3A_367 : i32 to vector<704x1xi32>
    %min3A_369 = arith.minsi %broadcast_in_dim3A_366, %min3A_368 : vector<704x1xi32>
    %eq3A_370 = vector.broadcast %min3A_369 : vector<704x1xi32> to vector<704x64xi32>
    %eq3A_371 = arith.cmpi eq, %iota3A_359, %eq3A_370 : vector<704x64xi32>
    %jit3A_372 = arith.constant 0 : i32
    %broadcast_in_dim3A_373 = vector.shape_cast %broadcast_in_dim3A_190 : vector<1x64xi32> to vector<1x64xi32>
    %broadcast_in_dim3A_374 = vector.broadcast %broadcast_in_dim3A_373 : vector<1x64xi32> to vector<704x64xi32>
    %broadcast_in_dim3A_375 = vector.broadcast %jit3A_372 : i32 to vector<704x64xi32>
    %select_n3A_376 = arith.select %eq3A_371, %broadcast_in_dim3A_374, %broadcast_in_dim3A_375 : vector<704x64xi1>, vector<704x64xi32>
    %reduce_sum3A_377 = arith.constant dense<0> : vector<704xi32>
    %reduce_sum3A_378 = vector.multi_reduction <add>, %select_n3A_376, %reduce_sum3A_377 [1] : vector<704x64xi32> to vector<704xi32>
    %broadcast_in_dim3A_379 = vector.shape_cast %reduce_sum3A_378 : vector<704xi32> to vector<704x1xi32>
    %jit3A_380 = arith.constant 0 : i32
    %broadcast_in_dim3A_381 = vector.shape_cast %broadcast_in_dim3A_106 : vector<1x64xi32> to vector<1x64xi32>
    %broadcast_in_dim3A_382 = vector.broadcast %broadcast_in_dim3A_381 : vector<1x64xi32> to vector<704x64xi32>
    %broadcast_in_dim3A_383 = vector.broadcast %jit3A_380 : i32 to vector<704x64xi32>
    %select_n3A_384 = arith.select %eq3A_371, %broadcast_in_dim3A_382, %broadcast_in_dim3A_383 : vector<704x64xi1>, vector<704x64xi32>
    %reduce_sum3A_385 = arith.constant dense<0> : vector<704xi32>
    %reduce_sum3A_386 = vector.multi_reduction <add>, %select_n3A_384, %reduce_sum3A_385 [1] : vector<704x64xi32> to vector<704xi32>
    %broadcast_in_dim3A_387 = vector.shape_cast %reduce_sum3A_386 : vector<704xi32> to vector<704x1xi32>
    %sub3A_388 = arith.subi %select_n3A_336, %broadcast_in_dim3A_379 : vector<704x1xi32>
    %mul3A_389 = arith.constant 8 : i32
    %mul3A_390 = vector.broadcast %mul3A_389 : i32 to vector<704x1xi32>
    %mul3A_391 = arith.muli %mul3A_390, %sub3A_388 : vector<704x1xi32>
    %add3A_392 = arith.addi %broadcast_in_dim3A_387, %mul3A_391 : vector<704x1xi32>
    %add3A_393 = arith.addi %add3A_392, %select_n3A_358 : vector<704x1xi32>
    %eq3A_394 = vector.broadcast %add3A_393 : vector<704x1xi32> to vector<704x256xi32>
    %eq3A_395 = vector.broadcast %broadcast_in_dim3A_80 : vector<1x256xi32> to vector<704x256xi32>
    %eq3A_396 = arith.cmpi eq, %eq3A_394, %eq3A_395 : vector<704x256xi32>
    %convert_element_type3A_397 = arith.extui %eq3A_396 : vector<704x256xi1> to vector<704x256xi32>
    %convert_element_type3A_398 = arith.sitofp %convert_element_type3A_397 : vector<704x256xi32> to vector<704x256xf32>
    %dot_general3A_399 = arith.constant dense<0.000000e+00> : vector<704x1024xf32>
    %dot_general3A_400 = tpu.matmul %convert_element_type3A_398, %add3A_37, %dot_general3A_399 {dimension_numbers = #tpu.dot_dimension_numbers<[1], [0], [0], [1], [0, 0, 1, 1], [], []>, transpose_lhs_hint = false} : vector<704x256xf32>, vector<256x1024xf32>, vector<704x1024xf32> -> vector<704x1024xf32>
    %swap3A_401 = arith.constant 0 : index
    %swap3A_402 = arith.constant 0 : index
    %swap3A_403 = vector.load %arg8[%swap3A_401, %swap3A_402] : memref<704x1024xf32, #tpu.memory_space<vmem>>, vector<704x1024xf32>
    tpu.vector_store %arg8[%swap3A_401, %swap3A_402], %dot_general3A_400 {strides = array<i32>} : memref<704x1024xf32, #tpu.memory_space<vmem>>, vector<704x1024xf32>,
    %eq3A_404 = vector.broadcast %broadcast_in_dim3A_67 : vector<256x1xi32> to vector<256x704xi32>
    %eq3A_405 = vector.broadcast %add3A_299 : vector<1x704xi32> to vector<256x704xi32>
    %eq3A_406 = arith.cmpi eq, %eq3A_404, %eq3A_405 : vector<256x704xi32>
    %and3A_407 = vector.broadcast %lt3A_304 : vector<1x704xi1> to vector<256x704xi1>
    %and3A_408 = arith.andi %eq3A_406, %and3A_407 : vector<256x704xi1>
    %convert_element_type3A_409 = arith.extui %and3A_408 : vector<256x704xi1> to vector<256x704xi32>
    %convert_element_type3A_410 = arith.sitofp %convert_element_type3A_409 : vector<256x704xi32> to vector<256x704xf32>
    %swap3A_411 = arith.constant 0 : index
    %swap3A_412 = arith.constant 0 : index
    %swap3A_413 = vector.load %arg11[%swap3A_411, %swap3A_412] : memref<256x704xf32, #tpu.memory_space<vmem>>, vector<256x704xf32>
    tpu.vector_store %arg11[%swap3A_411, %swap3A_412], %convert_element_type3A_410 {strides = array<i32>} : memref<256x704xf32, #tpu.memory_space<vmem>>, vector<256x704xf32>,
    return
  }
}

module attributes {stable_mosaic.version = 14 : i64} {
  func.func @_attend_body(%arg0: i32, %arg1: memref<88xi32, #tpu.memory_space<smem>>, %arg2: memref<1x128x8x128xf32, #tpu.memory_space<vmem>>, %arg3: memref<1x128x1024xf32, #tpu.memory_space<vmem>>, %arg4: memref<1x128x1024xf32, #tpu.memory_space<vmem>>, %arg5: memref<1x1x128xf32, #tpu.memory_space<vmem>>, %arg6: memref<1x128x8x128xf32, #tpu.memory_space<vmem>>) attributes {dimension_semantics = [#tpu.dimension_semantics<arbitrary>], iteration_bounds = array<i64: 88>, scalar_prefetch = 1 : i64, scratch_operands = 0 : i64, tpu.core_type = #tpu.core_type<tc>, window_params = [{transform_indices = @transform_0, window_bounds = array<i64: 1, 128, 8, 128>}, {transform_indices = @transform_1, window_bounds = array<i64: 1, 128, 1024>}, {transform_indices = @transform_2, window_bounds = array<i64: 1, 128, 1024>}, {transform_indices = @transform_3, window_bounds = array<i64: 1, 1, 128>}, {transform_indices = @transform_4, window_bounds = array<i64: 1, 128, 8, 128>}]} {
    %get3A = arith.constant 0 : index
    %get3A_0 = arith.constant 0 : index
    %get3A_1 = arith.constant 0 : index
    %get3A_2 = arith.constant 0 : index
    %get3A_3 = vector.load %arg2[%get3A, %get3A_0, %get3A_1, %get3A_2] : memref<1x128x8x128xf32, #tpu.memory_space<vmem>>, vector<1x128x8x128xf32>
    %get3A_4 = vector.shape_cast %get3A_3 : vector<1x128x8x128xf32> to vector<128x8x128xf32>
    %reshape3A = vector.shape_cast %get3A_4 : vector<128x8x128xf32> to vector<128x1024xf32>
    %get3A_5 = arith.constant 0 : index
    %get3A_6 = arith.constant 0 : index
    %get3A_7 = arith.constant 0 : index
    %get3A_8 = vector.load %arg3[%get3A_5, %get3A_6, %get3A_7] : memref<1x128x1024xf32, #tpu.memory_space<vmem>>, vector<1x128x1024xf32>
    %get3A_9 = vector.shape_cast %get3A_8 : vector<1x128x1024xf32> to vector<128x1024xf32>
    %dot_general3A = arith.constant dense<0.000000e+00> : vector<128x128xf32>
    %dot_general3A_10 = tpu.matmul %reshape3A, %get3A_9, %dot_general3A {dimension_numbers = #tpu.dot_dimension_numbers<[1], [1], [0], [0], [0, 0, 1, 0], [], []>, transpose_lhs_hint = false} : vector<128x1024xf32>, vector<128x1024xf32>, vector<128x128xf32> -> vector<128x128xf32>
    %mul3A = arith.constant 1.250000e-01 : f32
    %mul3A_11 = vector.broadcast %mul3A : f32 to vector<128x128xf32>
    %mul3A_12 = arith.mulf %dot_general3A_10, %mul3A_11 : vector<128x128xf32>
    %get3A_13 = arith.constant 0 : index
    %get3A_14 = arith.constant 0 : index
    %get3A_15 = arith.constant 0 : index
    %get3A_16 = vector.load %arg5[%get3A_13, %get3A_14, %get3A_15] : memref<1x1x128xf32, #tpu.memory_space<vmem>>, vector<1x1x128xf32>
    %get3A_17 = vector.shape_cast %get3A_16 : vector<1x1x128xf32> to vector<1x128xf32>
    %add3A = vector.broadcast %get3A_17 : vector<1x128xf32> to vector<128x128xf32>
    %add3A_18 = arith.addf %mul3A_12, %add3A : vector<128x128xf32>
    %reduce_max3A = arith.constant dense<0xFF800000> : vector<128xf32>
    %reduce_max3A_19 = vector.multi_reduction <maximumf>, %add3A_18, %reduce_max3A [1] : vector<128x128xf32> to vector<128xf32>
    %broadcast_in_dim3A = vector.shape_cast %reduce_max3A_19 : vector<128xf32> to vector<128x1xf32>
    %sub3A = vector.broadcast %broadcast_in_dim3A : vector<128x1xf32> to vector<128x128xf32>
    %sub3A_20 = arith.subf %add3A_18, %sub3A : vector<128x128xf32>
    %exp3A = math.exp %sub3A_20 : vector<128x128xf32>
    %reduce_sum3A = arith.constant dense<0.000000e+00> : vector<128xf32>
    %reduce_sum3A_21 = vector.multi_reduction <add>, %exp3A, %reduce_sum3A [1] : vector<128x128xf32> to vector<128xf32>
    %broadcast_in_dim3A_22 = vector.shape_cast %reduce_sum3A_21 : vector<128xf32> to vector<128x1xf32>
    %div3A = vector.broadcast %broadcast_in_dim3A_22 : vector<128x1xf32> to vector<128x128xf32>
    %div3A_23 = arith.divf %exp3A, %div3A : vector<128x128xf32>
    %get3A_24 = arith.constant 0 : index
    %get3A_25 = arith.constant 0 : index
    %get3A_26 = arith.constant 0 : index
    %get3A_27 = vector.load %arg4[%get3A_24, %get3A_25, %get3A_26] : memref<1x128x1024xf32, #tpu.memory_space<vmem>>, vector<1x128x1024xf32>
    %get3A_28 = vector.shape_cast %get3A_27 : vector<1x128x1024xf32> to vector<128x1024xf32>
    %dot_general3A_29 = arith.constant dense<0.000000e+00> : vector<128x1024xf32>
    %dot_general3A_30 = tpu.matmul %div3A_23, %get3A_28, %dot_general3A_29 {dimension_numbers = #tpu.dot_dimension_numbers<[1], [0], [0], [1], [0, 0, 1, 1], [], []>, transpose_lhs_hint = false} : vector<128x128xf32>, vector<128x1024xf32>, vector<128x1024xf32> -> vector<128x1024xf32>
    %reshape3A_31 = vector.shape_cast %dot_general3A_30 : vector<128x1024xf32> to vector<128x8x128xf32>
    %swap3A = arith.constant 0 : index
    %swap3A_32 = arith.constant 0 : index
    %swap3A_33 = arith.constant 0 : index
    %swap3A_34 = arith.constant 0 : index
    %swap3A_35 = vector.load %arg6[%swap3A, %swap3A_32, %swap3A_33, %swap3A_34] : memref<1x128x8x128xf32, #tpu.memory_space<vmem>>, vector<1x128x8x128xf32>
    %swap3A_36 = vector.shape_cast %swap3A_35 : vector<1x128x8x128xf32> to vector<128x8x128xf32>
    %swap3A_37 = vector.shape_cast %reshape3A_31 : vector<128x8x128xf32> to vector<1x128x8x128xf32>
    tpu.vector_store %arg6[%swap3A, %swap3A_32, %swap3A_33, %swap3A_34], %swap3A_37 {strides = array<i32>} : memref<1x128x8x128xf32, #tpu.memory_space<vmem>>, vector<1x128x8x128xf32>,
    return
  }
  func.func @transform_0(%arg0: i32, %arg1: memref<88xi32, #tpu.memory_space<smem>>) -> (i32, i32, i32, i32) {
    %c0_i32 = arith.constant 0 : i32
    %c0_i32_0 = arith.constant 0 : i32
    %c0_i32_1 = arith.constant 0 : i32
    %c0_i32_2 = arith.constant 0 : i32
    return %arg0, %c0_i32, %c0_i32_0, %c0_i32_1 : i32, i32, i32, i32
  }
  func.func @transform_1(%arg0: i32, %arg1: memref<88xi32, #tpu.memory_space<smem>>) -> (i32, i32, i32) {
    %get3A = arith.index_cast %arg0 : i32 to index
    %get3A_0 = memref.load %arg1[%get3A] : memref<88xi32, #tpu.memory_space<smem>>
    %c0_i32 = arith.constant 0 : i32
    %c0_i32_1 = arith.constant 0 : i32
    %c0_i32_2 = arith.constant 0 : i32
    return %get3A_0, %c0_i32, %c0_i32_1 : i32, i32, i32
  }
  func.func @transform_2(%arg0: i32, %arg1: memref<88xi32, #tpu.memory_space<smem>>) -> (i32, i32, i32) {
    %get3A = arith.index_cast %arg0 : i32 to index
    %get3A_0 = memref.load %arg1[%get3A] : memref<88xi32, #tpu.memory_space<smem>>
    %c0_i32 = arith.constant 0 : i32
    %c0_i32_1 = arith.constant 0 : i32
    %c0_i32_2 = arith.constant 0 : i32
    return %get3A_0, %c0_i32, %c0_i32_1 : i32, i32, i32
  }
  func.func @transform_3(%arg0: i32, %arg1: memref<88xi32, #tpu.memory_space<smem>>) -> (i32, i32, i32) {
    %get3A = arith.index_cast %arg0 : i32 to index
    %get3A_0 = memref.load %arg1[%get3A] : memref<88xi32, #tpu.memory_space<smem>>
    %c0_i32 = arith.constant 0 : i32
    %c0_i32_1 = arith.constant 0 : i32
    %c0_i32_2 = arith.constant 0 : i32
    return %get3A_0, %c0_i32, %c0_i32_1 : i32, i32, i32
  }
  func.func @transform_4(%arg0: i32, %arg1: memref<88xi32, #tpu.memory_space<smem>>) -> (i32, i32, i32, i32) {
    %c0_i32 = arith.constant 0 : i32
    %c0_i32_0 = arith.constant 0 : i32
    %c0_i32_1 = arith.constant 0 : i32
    %c0_i32_2 = arith.constant 0 : i32
    return %arg0, %c0_i32, %c0_i32_0, %c0_i32_1 : i32, i32, i32, i32
  }
}

module attributes {stable_mosaic.version = 14 : i64} {
  func.func @_mfold_body(%arg0: i32, %arg1: memref<1x704x64xf32, #tpu.memory_space<vmem>>, %arg2: memref<1x1024x64xf32, #tpu.memory_space<vmem>>, %arg3: memref<704x1x8x128xf32, #tpu.memory_space<vmem>>) attributes {dimension_semantics = [#tpu.dimension_semantics<arbitrary>], iteration_bounds = array<i64: 16>, scalar_prefetch = 0 : i64, scratch_operands = 0 : i64, tpu.core_type = #tpu.core_type<tc>, window_params = [{transform_indices = @transform_0, window_bounds = array<i64: 1, 704, 64>}, {transform_indices = @transform_1, window_bounds = array<i64: 1, 1024, 64>}, {transform_indices = @transform_2, window_bounds = array<i64: 704, 1, 8, 128>}]} {
    %get3A = arith.constant 0 : index
    %get3A_0 = arith.constant 0 : index
    %get3A_1 = arith.constant 0 : index
    %get3A_2 = vector.load %arg1[%get3A, %get3A_0, %get3A_1] : memref<1x704x64xf32, #tpu.memory_space<vmem>>, vector<1x704x64xf32>
    %get3A_3 = vector.shape_cast %get3A_2 : vector<1x704x64xf32> to vector<704x64xf32>
    %get3A_4 = arith.constant 0 : index
    %get3A_5 = arith.constant 0 : index
    %get3A_6 = arith.constant 0 : index
    %get3A_7 = vector.load %arg2[%get3A_4, %get3A_5, %get3A_6] : memref<1x1024x64xf32, #tpu.memory_space<vmem>>, vector<1x1024x64xf32>
    %get3A_8 = vector.shape_cast %get3A_7 : vector<1x1024x64xf32> to vector<1024x64xf32>
    %dot_general3A = arith.constant dense<0.000000e+00> : vector<704x1024xf32>
    %dot_general3A_9 = tpu.matmul %get3A_3, %get3A_8, %dot_general3A {dimension_numbers = #tpu.dot_dimension_numbers<[1], [1], [0], [0], [0, 0, 1, 0], [], []>, transpose_lhs_hint = false} : vector<704x64xf32>, vector<1024x64xf32>, vector<704x1024xf32> -> vector<704x1024xf32>
    %reshape3A = vector.shape_cast %dot_general3A_9 : vector<704x1024xf32> to vector<704x1x8x128xf32>
    %swap3A = arith.constant 0 : index
    %swap3A_10 = arith.constant 0 : index
    %swap3A_11 = arith.constant 0 : index
    %swap3A_12 = arith.constant 0 : index
    %swap3A_13 = vector.load %arg3[%swap3A, %swap3A_10, %swap3A_11, %swap3A_12] : memref<704x1x8x128xf32, #tpu.memory_space<vmem>>, vector<704x1x8x128xf32>
    tpu.vector_store %arg3[%swap3A, %swap3A_10, %swap3A_11, %swap3A_12], %reshape3A {strides = array<i32>} : memref<704x1x8x128xf32, #tpu.memory_space<vmem>>, vector<704x1x8x128xf32>,
    return
  }
  func.func @transform_0(%arg0: i32) -> (i32, i32, i32) {
    %c0_i32 = arith.constant 0 : i32
    %c0_i32_0 = arith.constant 0 : i32
    %c0_i32_1 = arith.constant 0 : i32
    return %arg0, %c0_i32, %c0_i32_0 : i32, i32, i32
  }
  func.func @transform_1(%arg0: i32) -> (i32, i32, i32) {
    %c0_i32 = arith.constant 0 : i32
    %c0_i32_0 = arith.constant 0 : i32
    %c0_i32_1 = arith.constant 0 : i32
    return %arg0, %c0_i32, %c0_i32_0 : i32, i32, i32
  }
  func.func @transform_2(%arg0: i32) -> (i32, i32, i32, i32) {
    %c0_i32 = arith.constant 0 : i32
    %c0_i32_0 = arith.constant 0 : i32
    %c0_i32_1 = arith.constant 0 : i32
    %c0_i32_2 = arith.constant 0 : i32
    return %c0_i32, %arg0, %c0_i32_0, %c0_i32_1 : i32, i32, i32, i32
  }
}

module attributes {stable_mosaic.version = 14 : i64} {
  func.func @_tail_body(%arg0: i32, %arg1: memref<704x1x8x128xf32, #tpu.memory_space<vmem>>, %arg2: memref<256x704xf32, #tpu.memory_space<vmem>>, %arg3: memref<1x1024x64xf32, #tpu.memory_space<vmem>>, %arg4: memref<1x1x64xf32, #tpu.memory_space<vmem>>, %arg5: memref<1x64x1024xf32, #tpu.memory_space<vmem>>, %arg6: memref<256x1024xf32, #tpu.memory_space<vmem>>, %arg7: memref<1x1024xf32, #tpu.memory_space<vmem>>, %arg8: memref<256x1xf32, #tpu.memory_space<vmem>>, %arg9: memref<1x1024xf32, #tpu.memory_space<vmem>>, %arg10: memref<1x1024xf32, #tpu.memory_space<vmem>>, %arg11: memref<1024x512xf32, #tpu.memory_space<vmem>>, %arg12: memref<1x512xf32, #tpu.memory_space<vmem>>, %arg13: memref<512x1024xf32, #tpu.memory_space<vmem>>, %arg14: memref<1x1024xf32, #tpu.memory_space<vmem>>, %arg15: memref<1024x512xf32, #tpu.memory_space<vmem>>, %arg16: memref<1x512xf32, #tpu.memory_space<vmem>>, %arg17: memref<512x1024xf32, #tpu.memory_space<vmem>>, %arg18: memref<1x1024xf32, #tpu.memory_space<vmem>>, %arg19: memref<256x1024xf32, #tpu.memory_space<vmem>>, %arg20: memref<704x1024xf32, #tpu.memory_space<vmem>>, %arg21: memref<256x1024xf32, #tpu.memory_space<vmem>>, %arg22: memref<256x1024xf32, #tpu.memory_space<vmem>>, %arg23: memref<256x1024xf32, #tpu.memory_space<vmem>>) attributes {dimension_semantics = [#tpu.dimension_semantics<arbitrary>], iteration_bounds = array<i64: 32>, scalar_prefetch = 0 : i64, scratch_operands = 4 : i64, tpu.core_type = #tpu.core_type<tc>, window_params = [{transform_indices = @transform_0, window_bounds = array<i64: 704, 1, 8, 128>}, {pipeline_mode = #tpu.pipeline_mode<synchronous>, transform_indices = @transform_1, window_bounds = array<i64: 256, 704>}, {transform_indices = @transform_2, window_bounds = array<i64: 1, 1024, 64>}, {transform_indices = @transform_3, window_bounds = array<i64: 1, 1, 64>}, {transform_indices = @transform_4, window_bounds = array<i64: 1, 64, 1024>}, {pipeline_mode = #tpu.pipeline_mode<synchronous>, transform_indices = @transform_5, window_bounds = array<i64: 256, 1024>}, {pipeline_mode = #tpu.pipeline_mode<synchronous>, transform_indices = @transform_6, window_bounds = array<i64: 1, 1024>}, {pipeline_mode = #tpu.pipeline_mode<synchronous>, transform_indices = @transform_7, window_bounds = array<i64: 256, 1>}, {pipeline_mode = #tpu.pipeline_mode<synchronous>, transform_indices = @transform_8, window_bounds = array<i64: 1, 1024>}, {pipeline_mode = #tpu.pipeline_mode<synchronous>, transform_indices = @transform_9, window_bounds = array<i64: 1, 1024>}, {transform_indices = @transform_10, window_bounds = array<i64: 1024, 512>}, {transform_indices = @transform_11, window_bounds = array<i64: 1, 512>}, {transform_indices = @transform_12, window_bounds = array<i64: 512, 1024>}, {pipeline_mode = #tpu.pipeline_mode<synchronous>, transform_indices = @transform_13, window_bounds = array<i64: 1, 1024>}, {transform_indices = @transform_14, window_bounds = array<i64: 1024, 512>}, {transform_indices = @transform_15, window_bounds = array<i64: 1, 512>}, {transform_indices = @transform_16, window_bounds = array<i64: 512, 1024>}, {pipeline_mode = #tpu.pipeline_mode<synchronous>, transform_indices = @transform_17, window_bounds = array<i64: 1, 1024>}, {pipeline_mode = #tpu.pipeline_mode<synchronous>, transform_indices = @transform_18, window_bounds = array<i64: 256, 1024>}]} {
    %eq3A = arith.constant 0 : i32
    %eq3A_0 = arith.cmpi eq, %arg0, %eq3A : i32
    %convert_element_type3A = arith.extui %eq3A_0 : i1 to i32
    %cond3A = arith.constant 0 : i32
    %cond3A_1 = arith.cmpi ne, %convert_element_type3A, %cond3A : i32
    scf.if %cond3A_1 {
      %broadcast_in_dim3A = arith.constant 0.000000e+00 : f32
      %broadcast_in_dim3A_32 = vector.broadcast %broadcast_in_dim3A : f32 to vector<704x1024xf32>
      %swap3A = arith.constant 0 : index
      %swap3A_33 = arith.constant 0 : index
      %swap3A_34 = vector.load %arg20[%swap3A, %swap3A_33] : memref<704x1024xf32, #tpu.memory_space<vmem>>, vector<704x1024xf32>
      tpu.vector_store %arg20[%swap3A, %swap3A_33], %broadcast_in_dim3A_32 {strides = array<i32>} : memref<704x1024xf32, #tpu.memory_space<vmem>>, vector<704x1024xf32>,
    } else {
    }
    %lt3A = arith.constant 16 : i32
    %lt3A_2 = arith.cmpi slt, %arg0, %lt3A : i32
    %convert_element_type3A_3 = arith.extui %lt3A_2 : i1 to i32
    %cond3A_4 = arith.constant 0 : i32
    %cond3A_5 = arith.cmpi ne, %convert_element_type3A_3, %cond3A_4 : i32
    scf.if %cond3A_5 {
      %get3A = arith.constant 0 : index
      %get3A_32 = arith.constant 0 : index
      %get3A_33 = arith.constant 0 : index
      %get3A_34 = arith.constant 0 : index
      %get3A_35 = vector.load %arg1[%get3A, %get3A_32, %get3A_33, %get3A_34] : memref<704x1x8x128xf32, #tpu.memory_space<vmem>>, vector<704x1x8x128xf32>
      %reshape3A = vector.shape_cast %get3A_35 : vector<704x1x8x128xf32> to vector<704x1024xf32>
      %get3A_36 = arith.constant 0 : index
      %get3A_37 = arith.constant 0 : index
      %get3A_38 = arith.constant 0 : index
      %get3A_39 = vector.load %arg3[%get3A_36, %get3A_37, %get3A_38] : memref<1x1024x64xf32, #tpu.memory_space<vmem>>, vector<1x1024x64xf32>
      %get3A_40 = vector.shape_cast %get3A_39 : vector<1x1024x64xf32> to vector<1024x64xf32>
      %dot_general3A = arith.constant dense<0.000000e+00> : vector<704x64xf32>
      %dot_general3A_41 = tpu.matmul %reshape3A, %get3A_40, %dot_general3A {dimension_numbers = #tpu.dot_dimension_numbers<[1], [0], [0], [1], [0, 0, 1, 1], [], []>, transpose_lhs_hint = false} : vector<704x1024xf32>, vector<1024x64xf32>, vector<704x64xf32> -> vector<704x64xf32>
      %get3A_42 = arith.constant 0 : index
      %get3A_43 = arith.constant 0 : index
      %get3A_44 = arith.constant 0 : index
      %get3A_45 = vector.load %arg4[%get3A_42, %get3A_43, %get3A_44] : memref<1x1x64xf32, #tpu.memory_space<vmem>>, vector<1x1x64xf32>
      %get3A_46 = vector.shape_cast %get3A_45 : vector<1x1x64xf32> to vector<1x64xf32>
      %add3A = vector.broadcast %get3A_46 : vector<1x64xf32> to vector<704x64xf32>
      %add3A_47 = arith.addf %dot_general3A_41, %add3A : vector<704x64xf32>
      %get3A_48 = arith.constant 0 : index
      %get3A_49 = arith.constant 0 : index
      %get3A_50 = vector.load %arg20[%get3A_48, %get3A_49] : memref<704x1024xf32, #tpu.memory_space<vmem>>, vector<704x1024xf32>
      %get3A_51 = arith.constant 0 : index
      %get3A_52 = arith.constant 0 : index
      %get3A_53 = arith.constant 0 : index
      %get3A_54 = vector.load %arg5[%get3A_51, %get3A_52, %get3A_53] : memref<1x64x1024xf32, #tpu.memory_space<vmem>>, vector<1x64x1024xf32>
      %get3A_55 = vector.shape_cast %get3A_54 : vector<1x64x1024xf32> to vector<64x1024xf32>
      %dot_general3A_56 = arith.constant dense<0.000000e+00> : vector<704x1024xf32>
      %dot_general3A_57 = tpu.matmul %add3A_47, %get3A_55, %dot_general3A_56 {dimension_numbers = #tpu.dot_dimension_numbers<[1], [0], [0], [1], [0, 0, 1, 1], [], []>, transpose_lhs_hint = false} : vector<704x64xf32>, vector<64x1024xf32>, vector<704x1024xf32> -> vector<704x1024xf32>
      %add3A_58 = arith.addf %get3A_50, %dot_general3A_57 : vector<704x1024xf32>
      %swap3A = arith.constant 0 : index
      %swap3A_59 = arith.constant 0 : index
      %swap3A_60 = vector.load %arg20[%swap3A, %swap3A_59] : memref<704x1024xf32, #tpu.memory_space<vmem>>, vector<704x1024xf32>
      tpu.vector_store %arg20[%swap3A, %swap3A_59], %add3A_58 {strides = array<i32>} : memref<704x1024xf32, #tpu.memory_space<vmem>>, vector<704x1024xf32>,
    } else {
    }
    %eq3A_6 = arith.constant 15 : i32
    %eq3A_7 = arith.cmpi eq, %arg0, %eq3A_6 : i32
    %convert_element_type3A_8 = arith.extui %eq3A_7 : i1 to i32
    %cond3A_9 = arith.constant 0 : i32
    %cond3A_10 = arith.cmpi ne, %convert_element_type3A_8, %cond3A_9 : i32
    scf.if %cond3A_10 {
      %get3A = arith.constant 0 : index
      %get3A_32 = arith.constant 0 : index
      %get3A_33 = vector.load %arg2[%get3A, %get3A_32] : memref<256x704xf32, #tpu.memory_space<vmem>>, vector<256x704xf32>
      %get3A_34 = arith.constant 0 : index
      %get3A_35 = arith.constant 0 : index
      %get3A_36 = vector.load %arg20[%get3A_34, %get3A_35] : memref<704x1024xf32, #tpu.memory_space<vmem>>, vector<704x1024xf32>
      %dot_general3A = arith.constant dense<0.000000e+00> : vector<256x1024xf32>
      %dot_general3A_37 = tpu.matmul %get3A_33, %get3A_36, %dot_general3A {dimension_numbers = #tpu.dot_dimension_numbers<[1], [0], [0], [1], [0, 0, 1, 1], [], []>, transpose_lhs_hint = false} : vector<256x704xf32>, vector<704x1024xf32>, vector<256x1024xf32> -> vector<256x1024xf32>
      %get3A_38 = arith.constant 0 : index
      %get3A_39 = arith.constant 0 : index
      %get3A_40 = vector.load %arg7[%get3A_38, %get3A_39] : memref<1x1024xf32, #tpu.memory_space<vmem>>, vector<1x1024xf32>
      %add3A = vector.broadcast %get3A_40 : vector<1x1024xf32> to vector<256x1024xf32>
      %add3A_41 = arith.addf %dot_general3A_37, %add3A : vector<256x1024xf32>
      %get3A_42 = arith.constant 0 : index
      %get3A_43 = arith.constant 0 : index
      %get3A_44 = vector.load %arg6[%get3A_42, %get3A_43] : memref<256x1024xf32, #tpu.memory_space<vmem>>, vector<256x1024xf32>
      %add3A_45 = arith.addf %add3A_41, %get3A_44 : vector<256x1024xf32>
      %swap3A = arith.constant 0 : index
      %swap3A_46 = arith.constant 0 : index
      %swap3A_47 = vector.load %arg22[%swap3A, %swap3A_46] : memref<256x1024xf32, #tpu.memory_space<vmem>>, vector<256x1024xf32>
      tpu.vector_store %arg22[%swap3A, %swap3A_46], %add3A_45 {strides = array<i32>} : memref<256x1024xf32, #tpu.memory_space<vmem>>, vector<256x1024xf32>,
      %broadcast_in_dim3A = arith.constant 0.000000e+00 : f32
      %broadcast_in_dim3A_48 = vector.broadcast %broadcast_in_dim3A : f32 to vector<256x1024xf32>
      %swap3A_49 = arith.constant 0 : index
      %swap3A_50 = arith.constant 0 : index
      %swap3A_51 = vector.load %arg21[%swap3A_49, %swap3A_50] : memref<256x1024xf32, #tpu.memory_space<vmem>>, vector<256x1024xf32>
      tpu.vector_store %arg21[%swap3A_49, %swap3A_50], %broadcast_in_dim3A_48 {strides = array<i32>} : memref<256x1024xf32, #tpu.memory_space<vmem>>, vector<256x1024xf32>,
    } else {
    }
    %ge3A = arith.constant 16 : i32
    %ge3A_11 = arith.cmpi sge, %arg0, %ge3A : i32
    %lt3A_12 = arith.constant 24 : i32
    %lt3A_13 = arith.cmpi slt, %arg0, %lt3A_12 : i32
    %and3A = arith.andi %ge3A_11, %lt3A_13 : i1
    %convert_element_type3A_14 = arith.extui %and3A : i1 to i32
    %cond3A_15 = arith.constant 0 : i32
    %cond3A_16 = arith.cmpi ne, %convert_element_type3A_14, %cond3A_15 : i32
    scf.if %cond3A_16 {
      %get3A = arith.constant 0 : index
      %get3A_32 = arith.constant 0 : index
      %get3A_33 = vector.load %arg22[%get3A, %get3A_32] : memref<256x1024xf32, #tpu.memory_space<vmem>>, vector<256x1024xf32>
      %get3A_34 = arith.constant 0 : index
      %get3A_35 = arith.constant 0 : index
      %get3A_36 = vector.load %arg11[%get3A_34, %get3A_35] : memref<1024x512xf32, #tpu.memory_space<vmem>>, vector<1024x512xf32>
      %dot_general3A = arith.constant dense<0.000000e+00> : vector<256x512xf32>
      %dot_general3A_37 = tpu.matmul %get3A_33, %get3A_36, %dot_general3A {dimension_numbers = #tpu.dot_dimension_numbers<[1], [0], [0], [1], [0, 0, 1, 1], [], []>, transpose_lhs_hint = false} : vector<256x1024xf32>, vector<1024x512xf32>, vector<256x512xf32> -> vector<256x512xf32>
      %get3A_38 = arith.constant 0 : index
      %get3A_39 = arith.constant 0 : index
      %get3A_40 = vector.load %arg12[%get3A_38, %get3A_39] : memref<1x512xf32, #tpu.memory_space<vmem>>, vector<1x512xf32>
      %add3A = vector.broadcast %get3A_40 : vector<1x512xf32> to vector<256x512xf32>
      %add3A_41 = arith.addf %dot_general3A_37, %add3A : vector<256x512xf32>
      %max3A = arith.constant 0.000000e+00 : f32
      %max3A_42 = vector.broadcast %max3A : f32 to vector<256x512xf32>
      %max3A_43 = arith.maximumf %add3A_41, %max3A_42 : vector<256x512xf32>
      %get3A_44 = arith.constant 0 : index
      %get3A_45 = arith.constant 0 : index
      %get3A_46 = vector.load %arg21[%get3A_44, %get3A_45] : memref<256x1024xf32, #tpu.memory_space<vmem>>, vector<256x1024xf32>
      %get3A_47 = arith.constant 0 : index
      %get3A_48 = arith.constant 0 : index
      %get3A_49 = vector.load %arg13[%get3A_47, %get3A_48] : memref<512x1024xf32, #tpu.memory_space<vmem>>, vector<512x1024xf32>
      %dot_general3A_50 = arith.constant dense<0.000000e+00> : vector<256x1024xf32>
      %dot_general3A_51 = tpu.matmul %max3A_43, %get3A_49, %dot_general3A_50 {dimension_numbers = #tpu.dot_dimension_numbers<[1], [0], [0], [1], [0, 0, 1, 1], [], []>, transpose_lhs_hint = false} : vector<256x512xf32>, vector<512x1024xf32>, vector<256x1024xf32> -> vector<256x1024xf32>
      %add3A_52 = arith.addf %get3A_46, %dot_general3A_51 : vector<256x1024xf32>
      %swap3A = arith.constant 0 : index
      %swap3A_53 = arith.constant 0 : index
      %swap3A_54 = vector.load %arg21[%swap3A, %swap3A_53] : memref<256x1024xf32, #tpu.memory_space<vmem>>, vector<256x1024xf32>
      tpu.vector_store %arg21[%swap3A, %swap3A_53], %add3A_52 {strides = array<i32>} : memref<256x1024xf32, #tpu.memory_space<vmem>>, vector<256x1024xf32>,
    } else {
    }
    %eq3A_17 = arith.constant 23 : i32
    %eq3A_18 = arith.cmpi eq, %arg0, %eq3A_17 : i32
    %convert_element_type3A_19 = arith.extui %eq3A_18 : i1 to i32
    %cond3A_20 = arith.constant 0 : i32
    %cond3A_21 = arith.cmpi ne, %convert_element_type3A_19, %cond3A_20 : i32
    scf.if %cond3A_21 {
      %get3A = arith.constant 0 : index
      %get3A_32 = arith.constant 0 : index
      %get3A_33 = vector.load %arg21[%get3A, %get3A_32] : memref<256x1024xf32, #tpu.memory_space<vmem>>, vector<256x1024xf32>
      %get3A_34 = arith.constant 0 : index
      %get3A_35 = arith.constant 0 : index
      %get3A_36 = vector.load %arg14[%get3A_34, %get3A_35] : memref<1x1024xf32, #tpu.memory_space<vmem>>, vector<1x1024xf32>
      %add3A = vector.broadcast %get3A_36 : vector<1x1024xf32> to vector<256x1024xf32>
      %add3A_37 = arith.addf %get3A_33, %add3A : vector<256x1024xf32>
      %get3A_38 = arith.constant 0 : index
      %get3A_39 = arith.constant 0 : index
      %get3A_40 = vector.load %arg22[%get3A_38, %get3A_39] : memref<256x1024xf32, #tpu.memory_space<vmem>>, vector<256x1024xf32>
      %add3A_41 = arith.addf %add3A_37, %get3A_40 : vector<256x1024xf32>
      %get3A_42 = arith.constant 0 : index
      %get3A_43 = arith.constant 0 : index
      %get3A_44 = vector.load %arg9[%get3A_42, %get3A_43] : memref<1x1024xf32, #tpu.memory_space<vmem>>, vector<1x1024xf32>
      %get3A_45 = arith.constant 0 : index
      %get3A_46 = arith.constant 0 : index
      %get3A_47 = vector.load %arg10[%get3A_45, %get3A_46] : memref<1x1024xf32, #tpu.memory_space<vmem>>, vector<1x1024xf32>
      %reduce_sum3A = arith.constant dense<0.000000e+00> : vector<256xf32>
      %reduce_sum3A_48 = vector.multi_reduction <add>, %add3A_41, %reduce_sum3A [1] : vector<256x1024xf32> to vector<256xf32>
      %broadcast_in_dim3A = vector.shape_cast %reduce_sum3A_48 : vector<256xf32> to vector<256x1xf32>
      %div3A = arith.constant 1.024000e+03 : f32
      %div3A_49 = vector.broadcast %div3A : f32 to vector<256x1xf32>
      %div3A_50 = arith.divf %broadcast_in_dim3A, %div3A_49 : vector<256x1xf32>
      %sub3A = vector.broadcast %div3A_50 : vector<256x1xf32> to vector<256x1024xf32>
      %sub3A_51 = arith.subf %add3A_41, %sub3A : vector<256x1024xf32>
      %integer_pow3A = arith.mulf %sub3A_51, %sub3A_51 : vector<256x1024xf32>
      %reduce_sum3A_52 = arith.constant dense<0.000000e+00> : vector<256xf32>
      %reduce_sum3A_53 = vector.multi_reduction <add>, %integer_pow3A, %reduce_sum3A_52 [1] : vector<256x1024xf32> to vector<256xf32>
      %broadcast_in_dim3A_54 = vector.shape_cast %reduce_sum3A_53 : vector<256xf32> to vector<256x1xf32>
      %div3A_55 = arith.constant 1.024000e+03 : f32
      %div3A_56 = vector.broadcast %div3A_55 : f32 to vector<256x1xf32>
      %div3A_57 = arith.divf %broadcast_in_dim3A_54, %div3A_56 : vector<256x1xf32>
      %sub3A_58 = vector.broadcast %div3A_50 : vector<256x1xf32> to vector<256x1024xf32>
      %sub3A_59 = arith.subf %add3A_41, %sub3A_58 : vector<256x1024xf32>
      %add3A_60 = arith.constant 9.99999974E-6 : f32
      %add3A_61 = vector.broadcast %add3A_60 : f32 to vector<256x1xf32>
      %add3A_62 = arith.addf %div3A_57, %add3A_61 : vector<256x1xf32>
      %sqrt3A = math.sqrt %add3A_62 : vector<256x1xf32>
      %div3A_63 = vector.broadcast %sqrt3A : vector<256x1xf32> to vector<256x1024xf32>
      %div3A_64 = arith.divf %sub3A_59, %div3A_63 : vector<256x1024xf32>
      %mul3A = vector.broadcast %get3A_44 : vector<1x1024xf32> to vector<256x1024xf32>
      %mul3A_65 = arith.mulf %div3A_64, %mul3A : vector<256x1024xf32>
      %add3A_66 = vector.broadcast %get3A_47 : vector<1x1024xf32> to vector<256x1024xf32>
      %add3A_67 = arith.addf %mul3A_65, %add3A_66 : vector<256x1024xf32>
      %get3A_68 = arith.constant 0 : index
      %get3A_69 = arith.constant 0 : index
      %get3A_70 = vector.load %arg8[%get3A_68, %get3A_69] : memref<256x1xf32, #tpu.memory_space<vmem>>, vector<256x1xf32>
      %mul3A_71 = vector.broadcast %get3A_70 : vector<256x1xf32> to vector<256x1024xf32>
      %mul3A_72 = arith.mulf %add3A_67, %mul3A_71 : vector<256x1024xf32>
      %get3A_73 = arith.constant 0 : index
      %get3A_74 = arith.constant 0 : index
      %get3A_75 = vector.load %arg6[%get3A_73, %get3A_74] : memref<256x1024xf32, #tpu.memory_space<vmem>>, vector<256x1024xf32>
      %add3A_76 = arith.addf %get3A_75, %mul3A_72 : vector<256x1024xf32>
      %swap3A = arith.constant 0 : index
      %swap3A_77 = arith.constant 0 : index
      %swap3A_78 = vector.load %arg23[%swap3A, %swap3A_77] : memref<256x1024xf32, #tpu.memory_space<vmem>>, vector<256x1024xf32>
      tpu.vector_store %arg23[%swap3A, %swap3A_77], %add3A_76 {strides = array<i32>} : memref<256x1024xf32, #tpu.memory_space<vmem>>, vector<256x1024xf32>,
      %broadcast_in_dim3A_79 = arith.constant 0.000000e+00 : f32
      %broadcast_in_dim3A_80 = vector.broadcast %broadcast_in_dim3A_79 : f32 to vector<256x1024xf32>
      %swap3A_81 = arith.constant 0 : index
      %swap3A_82 = arith.constant 0 : index
      %swap3A_83 = vector.load %arg21[%swap3A_81, %swap3A_82] : memref<256x1024xf32, #tpu.memory_space<vmem>>, vector<256x1024xf32>
      tpu.vector_store %arg21[%swap3A_81, %swap3A_82], %broadcast_in_dim3A_80 {strides = array<i32>} : memref<256x1024xf32, #tpu.memory_space<vmem>>, vector<256x1024xf32>,
    } else {
    }
    %ge3A_22 = arith.constant 24 : i32
    %ge3A_23 = arith.cmpi sge, %arg0, %ge3A_22 : i32
    %convert_element_type3A_24 = arith.extui %ge3A_23 : i1 to i32
    %cond3A_25 = arith.constant 0 : i32
    %cond3A_26 = arith.cmpi ne, %convert_element_type3A_24, %cond3A_25 : i32
    scf.if %cond3A_26 {
      %get3A = arith.constant 0 : index
      %get3A_32 = arith.constant 0 : index
      %get3A_33 = vector.load %arg23[%get3A, %get3A_32] : memref<256x1024xf32, #tpu.memory_space<vmem>>, vector<256x1024xf32>
      %get3A_34 = arith.constant 0 : index
      %get3A_35 = arith.constant 0 : index
      %get3A_36 = vector.load %arg15[%get3A_34, %get3A_35] : memref<1024x512xf32, #tpu.memory_space<vmem>>, vector<1024x512xf32>
      %dot_general3A = arith.constant dense<0.000000e+00> : vector<256x512xf32>
      %dot_general3A_37 = tpu.matmul %get3A_33, %get3A_36, %dot_general3A {dimension_numbers = #tpu.dot_dimension_numbers<[1], [0], [0], [1], [0, 0, 1, 1], [], []>, transpose_lhs_hint = false} : vector<256x1024xf32>, vector<1024x512xf32>, vector<256x512xf32> -> vector<256x512xf32>
      %get3A_38 = arith.constant 0 : index
      %get3A_39 = arith.constant 0 : index
      %get3A_40 = vector.load %arg16[%get3A_38, %get3A_39] : memref<1x512xf32, #tpu.memory_space<vmem>>, vector<1x512xf32>
      %add3A = vector.broadcast %get3A_40 : vector<1x512xf32> to vector<256x512xf32>
      %add3A_41 = arith.addf %dot_general3A_37, %add3A : vector<256x512xf32>
      %max3A = arith.constant 0.000000e+00 : f32
      %max3A_42 = vector.broadcast %max3A : f32 to vector<256x512xf32>
      %max3A_43 = arith.maximumf %add3A_41, %max3A_42 : vector<256x512xf32>
      %get3A_44 = arith.constant 0 : index
      %get3A_45 = arith.constant 0 : index
      %get3A_46 = vector.load %arg21[%get3A_44, %get3A_45] : memref<256x1024xf32, #tpu.memory_space<vmem>>, vector<256x1024xf32>
      %get3A_47 = arith.constant 0 : index
      %get3A_48 = arith.constant 0 : index
      %get3A_49 = vector.load %arg17[%get3A_47, %get3A_48] : memref<512x1024xf32, #tpu.memory_space<vmem>>, vector<512x1024xf32>
      %dot_general3A_50 = arith.constant dense<0.000000e+00> : vector<256x1024xf32>
      %dot_general3A_51 = tpu.matmul %max3A_43, %get3A_49, %dot_general3A_50 {dimension_numbers = #tpu.dot_dimension_numbers<[1], [0], [0], [1], [0, 0, 1, 1], [], []>, transpose_lhs_hint = false} : vector<256x512xf32>, vector<512x1024xf32>, vector<256x1024xf32> -> vector<256x1024xf32>
      %add3A_52 = arith.addf %get3A_46, %dot_general3A_51 : vector<256x1024xf32>
      %swap3A = arith.constant 0 : index
      %swap3A_53 = arith.constant 0 : index
      %swap3A_54 = vector.load %arg21[%swap3A, %swap3A_53] : memref<256x1024xf32, #tpu.memory_space<vmem>>, vector<256x1024xf32>
      tpu.vector_store %arg21[%swap3A, %swap3A_53], %add3A_52 {strides = array<i32>} : memref<256x1024xf32, #tpu.memory_space<vmem>>, vector<256x1024xf32>,
    } else {
    }
    %eq3A_27 = arith.constant 31 : i32
    %eq3A_28 = arith.cmpi eq, %arg0, %eq3A_27 : i32
    %convert_element_type3A_29 = arith.extui %eq3A_28 : i1 to i32
    %cond3A_30 = arith.constant 0 : i32
    %cond3A_31 = arith.cmpi ne, %convert_element_type3A_29, %cond3A_30 : i32
    scf.if %cond3A_31 {
      %get3A = arith.constant 0 : index
      %get3A_32 = arith.constant 0 : index
      %get3A_33 = vector.load %arg21[%get3A, %get3A_32] : memref<256x1024xf32, #tpu.memory_space<vmem>>, vector<256x1024xf32>
      %get3A_34 = arith.constant 0 : index
      %get3A_35 = arith.constant 0 : index
      %get3A_36 = vector.load %arg18[%get3A_34, %get3A_35] : memref<1x1024xf32, #tpu.memory_space<vmem>>, vector<1x1024xf32>
      %add3A = vector.broadcast %get3A_36 : vector<1x1024xf32> to vector<256x1024xf32>
      %add3A_37 = arith.addf %get3A_33, %add3A : vector<256x1024xf32>
      %get3A_38 = arith.constant 0 : index
      %get3A_39 = arith.constant 0 : index
      %get3A_40 = vector.load %arg23[%get3A_38, %get3A_39] : memref<256x1024xf32, #tpu.memory_space<vmem>>, vector<256x1024xf32>
      %add3A_41 = arith.addf %add3A_37, %get3A_40 : vector<256x1024xf32>
      %swap3A = arith.constant 0 : index
      %swap3A_42 = arith.constant 0 : index
      %swap3A_43 = vector.load %arg19[%swap3A, %swap3A_42] : memref<256x1024xf32, #tpu.memory_space<vmem>>, vector<256x1024xf32>
      tpu.vector_store %arg19[%swap3A, %swap3A_42], %add3A_41 {strides = array<i32>} : memref<256x1024xf32, #tpu.memory_space<vmem>>, vector<256x1024xf32>,
    } else {
    }
    return
  }
  func.func @transform_0(%arg0: i32) -> (i32, i32, i32, i32) {
    %min3A = arith.constant 15 : i32
    %min3A_0 = arith.minsi %arg0, %min3A : i32
    %c0_i32 = arith.constant 0 : i32
    %c0_i32_1 = arith.constant 0 : i32
    %c0_i32_2 = arith.constant 0 : i32
    %c0_i32_3 = arith.constant 0 : i32
    return %c0_i32, %min3A_0, %c0_i32_1, %c0_i32_2 : i32, i32, i32, i32
  }
  func.func @transform_1(%arg0: i32) -> (i32, i32) {
    %c0_i32 = arith.constant 0 : i32
    %c0_i32_0 = arith.constant 0 : i32
    %c0_i32_1 = arith.constant 0 : i32
    return %c0_i32, %c0_i32_0 : i32, i32
  }
  func.func @transform_2(%arg0: i32) -> (i32, i32, i32) {
    %min3A = arith.constant 15 : i32
    %min3A_0 = arith.minsi %arg0, %min3A : i32
    %c0_i32 = arith.constant 0 : i32
    %c0_i32_1 = arith.constant 0 : i32
    %c0_i32_2 = arith.constant 0 : i32
    return %min3A_0, %c0_i32, %c0_i32_1 : i32, i32, i32
  }
  func.func @transform_3(%arg0: i32) -> (i32, i32, i32) {
    %min3A = arith.constant 15 : i32
    %min3A_0 = arith.minsi %arg0, %min3A : i32
    %c0_i32 = arith.constant 0 : i32
    %c0_i32_1 = arith.constant 0 : i32
    %c0_i32_2 = arith.constant 0 : i32
    return %min3A_0, %c0_i32, %c0_i32_1 : i32, i32, i32
  }
  func.func @transform_4(%arg0: i32) -> (i32, i32, i32) {
    %min3A = arith.constant 15 : i32
    %min3A_0 = arith.minsi %arg0, %min3A : i32
    %c0_i32 = arith.constant 0 : i32
    %c0_i32_1 = arith.constant 0 : i32
    %c0_i32_2 = arith.constant 0 : i32
    return %min3A_0, %c0_i32, %c0_i32_1 : i32, i32, i32
  }
  func.func @transform_5(%arg0: i32) -> (i32, i32) {
    %c0_i32 = arith.constant 0 : i32
    %c0_i32_0 = arith.constant 0 : i32
    %c0_i32_1 = arith.constant 0 : i32
    return %c0_i32, %c0_i32_0 : i32, i32
  }
  func.func @transform_6(%arg0: i32) -> (i32, i32) {
    %c0_i32 = arith.constant 0 : i32
    %c0_i32_0 = arith.constant 0 : i32
    %c0_i32_1 = arith.constant 0 : i32
    return %c0_i32, %c0_i32_0 : i32, i32
  }
  func.func @transform_7(%arg0: i32) -> (i32, i32) {
    %c0_i32 = arith.constant 0 : i32
    %c0_i32_0 = arith.constant 0 : i32
    %c0_i32_1 = arith.constant 0 : i32
    return %c0_i32, %c0_i32_0 : i32, i32
  }
  func.func @transform_8(%arg0: i32) -> (i32, i32) {
    %c0_i32 = arith.constant 0 : i32
    %c0_i32_0 = arith.constant 0 : i32
    %c0_i32_1 = arith.constant 0 : i32
    return %c0_i32, %c0_i32_0 : i32, i32
  }
  func.func @transform_9(%arg0: i32) -> (i32, i32) {
    %c0_i32 = arith.constant 0 : i32
    %c0_i32_0 = arith.constant 0 : i32
    %c0_i32_1 = arith.constant 0 : i32
    return %c0_i32, %c0_i32_0 : i32, i32
  }
  func.func @transform_10(%arg0: i32) -> (i32, i32) {
    %sub3A = arith.constant 16 : i32
    %sub3A_0 = arith.subi %arg0, %sub3A : i32
    %jit3A = arith.constant 0 : i32
    %jit3A_1 = arith.constant 7 : i32
    %max3A = arith.maxsi %jit3A, %sub3A_0 : i32
    %min3A = arith.minsi %jit3A_1, %max3A : i32
    %c0_i32 = arith.constant 0 : i32
    %c0_i32_2 = arith.constant 0 : i32
    return %c0_i32, %min3A : i32, i32
  }
  func.func @transform_11(%arg0: i32) -> (i32, i32) {
    %sub3A = arith.constant 16 : i32
    %sub3A_0 = arith.subi %arg0, %sub3A : i32
    %jit3A = arith.constant 0 : i32
    %jit3A_1 = arith.constant 7 : i32
    %max3A = arith.maxsi %jit3A, %sub3A_0 : i32
    %min3A = arith.minsi %jit3A_1, %max3A : i32
    %c0_i32 = arith.constant 0 : i32
    %c0_i32_2 = arith.constant 0 : i32
    return %c0_i32, %min3A : i32, i32
  }
  func.func @transform_12(%arg0: i32) -> (i32, i32) {
    %sub3A = arith.constant 16 : i32
    %sub3A_0 = arith.subi %arg0, %sub3A : i32
    %jit3A = arith.constant 0 : i32
    %jit3A_1 = arith.constant 7 : i32
    %max3A = arith.maxsi %jit3A, %sub3A_0 : i32
    %min3A = arith.minsi %jit3A_1, %max3A : i32
    %c0_i32 = arith.constant 0 : i32
    %c0_i32_2 = arith.constant 0 : i32
    return %min3A, %c0_i32 : i32, i32
  }
  func.func @transform_13(%arg0: i32) -> (i32, i32) {
    %c0_i32 = arith.constant 0 : i32
    %c0_i32_0 = arith.constant 0 : i32
    %c0_i32_1 = arith.constant 0 : i32
    return %c0_i32, %c0_i32_0 : i32, i32
  }
  func.func @transform_14(%arg0: i32) -> (i32, i32) {
    %sub3A = arith.constant 16 : i32
    %sub3A_0 = arith.subi %arg0, %sub3A : i32
    %sub3A_1 = arith.constant 8 : i32
    %sub3A_2 = arith.subi %sub3A_0, %sub3A_1 : i32
    %jit3A = arith.constant 0 : i32
    %jit3A_3 = arith.constant 7 : i32
    %max3A = arith.maxsi %jit3A, %sub3A_2 : i32
    %min3A = arith.minsi %jit3A_3, %max3A : i32
    %c0_i32 = arith.constant 0 : i32
    %c0_i32_4 = arith.constant 0 : i32
    return %c0_i32, %min3A : i32, i32
  }
  func.func @transform_15(%arg0: i32) -> (i32, i32) {
    %sub3A = arith.constant 16 : i32
    %sub3A_0 = arith.subi %arg0, %sub3A : i32
    %sub3A_1 = arith.constant 8 : i32
    %sub3A_2 = arith.subi %sub3A_0, %sub3A_1 : i32
    %jit3A = arith.constant 0 : i32
    %jit3A_3 = arith.constant 7 : i32
    %max3A = arith.maxsi %jit3A, %sub3A_2 : i32
    %min3A = arith.minsi %jit3A_3, %max3A : i32
    %c0_i32 = arith.constant 0 : i32
    %c0_i32_4 = arith.constant 0 : i32
    return %c0_i32, %min3A : i32, i32
  }
  func.func @transform_16(%arg0: i32) -> (i32, i32) {
    %sub3A = arith.constant 16 : i32
    %sub3A_0 = arith.subi %arg0, %sub3A : i32
    %sub3A_1 = arith.constant 8 : i32
    %sub3A_2 = arith.subi %sub3A_0, %sub3A_1 : i32
    %jit3A = arith.constant 0 : i32
    %jit3A_3 = arith.constant 7 : i32
    %max3A = arith.maxsi %jit3A, %sub3A_2 : i32
    %min3A = arith.minsi %jit3A_3, %max3A : i32
    %c0_i32 = arith.constant 0 : i32
    %c0_i32_4 = arith.constant 0 : i32
    return %min3A, %c0_i32 : i32, i32
  }
  func.func @transform_17(%arg0: i32) -> (i32, i32) {
    %c0_i32 = arith.constant 0 : i32
    %c0_i32_0 = arith.constant 0 : i32
    %c0_i32_1 = arith.constant 0 : i32
    return %c0_i32, %c0_i32_0 : i32, i32
  }
  func.func @transform_18(%arg0: i32) -> (i32, i32) {
    %c0_i32 = arith.constant 0 : i32
    %c0_i32_0 = arith.constant 0 : i32
    %c0_i32_1 = arith.constant 0 : i32
    return %c0_i32, %c0_i32_0 : i32, i32
  }
}

</mosaic_0001>

<sc_bundles>
// kernel: kernel.7.cloned.1.call-start
scs
__scs_entry_jumppad:
0x0: {  	(pc) =	sbr.rel $0x88, $3  }
0x1: {  	(tag) =	ssettag $0x0;
	lr =	simm.s32 $0x1  }
0x2: {  	[smem:$0x3F89] =	sst lr;
	_ =	strace $0xD0000000  }
0x3: {  	_ = 	snop  }
0x4: {  	_ = 	snop  }
0x5: {  	_ = 	snop  }
0x6: {  	_ = 	snop  }
0x7: {  	_ = 	snop  }
__scs_overlays_trampoline_lowered:
0x8: {  	[smem:$0x3F98] =	sst s0  }
0x9: {  	[smem:$0x3F99] =	sst s1  }
0xa: {  	[smem:$0x3F9A] =	sst s2  }
0xb: {  	[smem:$0x3F9B] =	sst s3  }
0xc: {  	[smem:$0x3F9C] =	sst s4  }
0xd: {  	[smem:$0x3F9D] =	sst s5  }
0xe: {  	[smem:$0x3F9E] =	sst s6  }
0xf: {  	[smem:$0x3F9F] =	sst s7  }
0x10: {  	[smem:$0x3FA0] =	sst s8  }
0x11: {  	[smem:$0x3FA1] =	sst s9;
	s0 =	simm.s32 @!p0 $0x0  }
0x12: {  	s1 =	sld [smem:$0x3F87];
	s0 =	simm.s32 @p0 $0x1  }
0x13: {  	[smem:$0x3FA2] =	sst s0;
	s0 =	simm.s32 @!p1 $0x0  }
0x14: {  	s2 =	sld [smem:$0x3F86];
	s0 =	simm.s32 @p1 $0x1  }
0x15: {  	[smem:$0x3FA3] =	sst s0;
	s0 =	simm.s32 @!p2 $0x0  }
0x16: {  	s3 =	sld [smem:$0x3FDB];
	s0 =	simm.s32 @p2 $0x1  }
0x17: {  	s4 =	simm.s32 $0x1BF5;
	[smem:$0x3FA5] =	sst s0  }
0x18: {  	s0 =	sld [smem:$0x3F88];
	_ =	swait.ge [sflag:s4], $0x0  }
0x19: {  	s7 =	sld [smem:$0x3F89]  }
0x1a: {  	s8 =	sadd.s32 $0xFFFFE003, lr  }
0x1b: {  	s9 =	sadd.s32 $0xFFFFFEF7, lr;
	s5 =	simm.s32 $0xFFFFFFFF;
	p2 =	slt.u32 s8, $0xFFFFF086  }
0x1c: {  	p1 =	slt.u32 s9, $0xF7A;
	s5 =	simm.s32 @!p2 $0x0  }
0x1d: {  	s5 =	simm.s32 @p1 $0x1;
	p0 =	seq.s32 s7, s2  }
0x1e: {  	s7 =	smul.u32 @!p0 $0xF7A, s2;
	p2 =	seq.s32 @!p0 s5, $0x0  }
0x1f: {  	s9 =	smul.u32 $0xF7A, s1;
	s8 =	simm.s32 @!p0 $0x1BF5;
	p2 =	por !p2, p0  }
0x20: {  	[sflag:s8] =	ssyncset.s32 @!p0 $0xFFFFF086;
	s6 =	sadd.s32 @!p0 s3, s7;
	s7 =	simm.s32 @!p0 $0x108  }
0x21: {  	s3 =	sadd.s32 s3, s9;
	s6 =	sadd.s32 @!p0 $0x88, s6;
	s7 =	simm.s32 @p2 $0x1082  }
0x22: {  	[simem:s7], [sflag:s8] =	dma.local @!p0 [hbm:s6], $0xF7A  }
0x23: {  	s9 =	sor.u32 $0xD0000000, s2;
	s6 =	simm.s32 $0x108;
	_ =	swait.ge @!p0 [sflag:s8], $0x0  }
0x24: {  	s3 =	sadd.s32 $0x88, s3;
	s6 =	simm.s32 @!p1 $0x1082;
	[sflag:s4] =	ssyncset.s32 $0xFFFFF086  }
0x25: {  	[simem:s6], [sflag:s4] =	dma.local [hbm:s3], $0xF7A  }
0x26: {  	[smem:$0x3F89] =	sst s1;
	(tag) =	ssettag s2;
	_ =	strace s9  }
0x27: {  	s1 =	sld [smem:$0x3F99]  }
0x28: {  	s2 =	sld [smem:$0x3F9A]  }
0x29: {  	s4 =	sld [smem:$0x3F9C]  }
0x2a: {  	p0 =	seq.s32 s5, $0x0;
	s5 =	sld [smem:$0x3F9D]  }
0x2b: {  	s6 =	sld [smem:$0x3F9E]  }
0x2c: {  	s7 =	sld [smem:$0x3F9F]  }
0x2d: {  	s3 =	simm.s32 $0x108;
	s8 =	sld [smem:$0x3FA0]  }
0x2e: {  	s3 =	simm.s32 @!p0 $0x1082;
	s9 =	sld [smem:$0x3FA1]  }
0x2f: {  	lr =	sadd.s32 s0, s3;
	s0 =	sld [smem:$0x3F98]  }
0x30: {  	s3 =	sld [smem:$0x3F9B]  }
0x31: {  	[smem:$0x3FA4] =	sst s10  }
0x32: {  	s10 =	sld [smem:$0x3FA2];
	_ =	sdelay $0x3  }
0x33: {  	p0 =	seq.s32 s10, $0x1;
	s10 =	sld [smem:$0x3FA4];
	_ =	sdelay $0x3  }
0x34: {  	[smem:$0x3FA4] =	sst s10  }
0x35: {  	s10 =	sld [smem:$0x3FA3];
	_ =	sdelay $0x3  }
0x36: {  	p1 =	seq.s32 s10, $0x1;
	s10 =	sld [smem:$0x3FA4];
	_ =	sdelay $0x3  }
0x37: {  	[smem:$0x3FA4] =	sst s10  }
0x38: {  	s10 =	sld [smem:$0x3FA5]  }
0x39: {  	_ = 	snop;
	(pc) =	sbr.ind lr, $3  }
0x3a: {  	_ = 	snop  }
0x3b: {  	_ = 	snop  }
0x3c: {  	p2 =	seq.s32 s10, $0x1;
	s10 =	sld [smem:$0x3FA4]  }
0x3d: {  	_ =	shalt  }
0x3e: {  	_ =	shalt  }
0x3f: {  	_ =	shalt  }
0x40: {  	_ =	shalt  }
0x41: {  	_ =	shalt  }
0x42: {  	_ =	shalt  }
0x43: {  	_ =	shalt  }
0x44: {  	_ =	shalt  }
0x45: {  	_ =	shalt  }
0x46: {  	_ =	shalt  }
0x47: {  	_ =	shalt  }
0x48: {  	_ =	shalt  }
0x49: {  	_ =	shalt  }
0x4a: {  	_ =	shalt  }
0x4b: {  	_ =	shalt  }
0x4c: {  	_ =	shalt  }
0x4d: {  	_ =	shalt  }
0x4e: {  	_ =	shalt  }
0x4f: {  	_ =	shalt  }
0x50: {  	_ =	shalt  }
0x51: {  	_ =	shalt  }
0x52: {  	_ =	shalt  }
0x53: {  	_ =	shalt  }
0x54: {  	_ =	shalt  }
0x55: {  	_ =	shalt  }
0x56: {  	_ =	shalt  }
0x57: {  	_ =	shalt  }
0x58: {  	_ =	shalt  }
0x59: {  	_ =	shalt  }
0x5a: {  	_ =	shalt  }
0x5b: {  	_ =	shalt  }
0x5c: {  	_ =	shalt  }
0x5d: {  	_ =	shalt  }
0x5e: {  	_ =	shalt  }
0x5f: {  	_ =	shalt  }
0x60: {  	_ =	shalt  }
0x61: {  	_ =	shalt  }
0x62: {  	_ =	shalt  }
0x63: {  	_ =	shalt  }
0x64: {  	_ =	shalt  }
0x65: {  	_ =	shalt  }
0x66: {  	_ =	shalt  }
0x67: {  	_ =	shalt  }
0x68: {  	_ =	shalt  }
0x69: {  	_ =	shalt  }
0x6a: {  	_ =	shalt  }
0x6b: {  	_ =	shalt  }
0x6c: {  	_ =	shalt  }
0x6d: {  	_ =	shalt  }
0x6e: {  	_ =	shalt  }
0x6f: {  	_ =	shalt  }
0x70: {  	_ =	shalt  }
0x71: {  	_ =	shalt  }
0x72: {  	_ =	shalt  }
0x73: {  	_ =	shalt  }
0x74: {  	_ =	shalt  }
0x75: {  	_ =	shalt  }
0x76: {  	_ =	shalt  }
0x77: {  	_ =	shalt  }
0x78: {  	_ =	shalt  }
0x79: {  	_ =	shalt  }
0x7a: {  	_ =	shalt  }
0x7b: {  	_ =	shalt  }
0x7c: {  	_ =	shalt  }
0x7d: {  	_ =	shalt  }
0x7e: {  	_ =	shalt  }
0x7f: {  	_ =	shalt  }
0x80: {  	_ =	shalt  }
0x81: {  	_ =	shalt  }
0x82: {  	_ =	shalt  }
0x83: {  	_ =	shalt  }
0x84: {  	_ =	shalt  }
0x85: {  	_ =	shalt  }
0x86: {  	_ =	shalt  }
0x87: {  	_ =	shalt  }
.Lfunc_end0:
.L_simem_size_0:
called_computation_lowered:
.L_overlay_start_0:
0x88: {  	s2 =	sld [smem:$0x3FD9]  }
0x89: {  	s3 =	sld [smem:$0x3FFE];
	_ =	sdelay $0x1  }
0x8a: {  	s1 =	srdreg.scid  }
0x8b: {  	s0 =	sand.u32 $0x1, s1  }
0x8c: {  	s17 =	sshll.u32 s0, $0xA;
	s2 =	sadd.s32 s3, s2  }
0x8d: {  	s2 =	sadd.s32 s2, s17  }
0x8e: {  	[smem:$0x3FB0] =	sst s2  }
0x8f: {  	_ = 	snop  }
0x90: {  	s2 =	sld [smem:$0x3FD0];
	(tm) =	ssettm $0x1  }
0x91: {  	s18 =	sld [smem:$0x3FFB];
	_ =	sdelay $0x3  }
0x92: {  	_ =	strace s18  }
0x93: {  	s3 =	sld [smem:$0x3FFC];
	_ =	sdelay $0x3  }
0x94: {  	_ =	strace s3  }
0x95: {  	s3 =	sld [smem:$0x3FFD];
	_ =	sdelay $0x3  }
0x96: {  	_ =	strace s3  }
0x97: {  	_ =	strace $0x8FFFFFFF  }
0x98: {  	s19 =	sld [smem:$0x3FDB];
	_ =	sdelay $0x1  }
0x99: {  	s4 =	simm.s32 $_scs_section_size  }
0x9a: {  	s5 =	simm.s32 $_size__tile_overlayer_lowered;
	s6 =	simm.s32 $_tile_overlayer_lowered  }
0x9b: {  	s22 =	simm.s32 $0x1BFF;
	s21 =	sshll.u32 s6, $0x1;
	s3 =	sadd.s32 s4, s19  }
0x9c: {  	s7 =	simm.s32 $0x0;
	s20 =	sshll.u32 s5, $0x1;
	s5 =	sadd.s32 s21, s3  }
0x9d: {  	[timem:s7], [sflag:s22] =	dma.local [hbm:s5], s20  }
0x9e: {  	_ =	swait.ge [sflag:s22], s20  }
0x9f: {  	s4 =	ssub.s32 $0x0, s20;
	[sflag:s22] =	ssyncset.done $0x0  }
0xa0: {  	[sflag:s22] =	ssyncadd.s32 s4;
	_ =	sdelay $0x1  }
0xa1: {  	s23 =	simm.s32 $0x1B8B  }
0xa2: {  	_ =	swait.ge [sflag:s23], $0x1  }
0xa3: {  	[sflag:s23] =	ssyncset.done $0x0  }
0xa4: {  	s25 =	simm.s32 $0x1B8E;
	s24 =	sld [smem:$0x3FFE];
	[sflag:s23] =	ssyncadd.s32 $0xFFFFFFFF  }
0xa5: {  	s26 =	simm.s32 $execute0_lowered;
	[smem:$0x3FD2] =	sst s25  }
0xa6: {  	s5 =	sshll.u32 s26, $0x1;
	_ =	strace $0x80000046;
	[dreg:$0x1] =	wrdreg $0xFFFFFFFF  }
0xa7: {  	s28 =	simm.s32 $_size_execute0_lowered;
	s3 =	sadd.s32 s3, s5;
	[dreg:$0x0] =	wrdreg $0x0  }
0xa8: {  	s5 =	sshll.u32 s28, $0x1;
	[dreg:$0x2] =	wrdreg s3  }
0xa9: {  	[dreg:$0x3] =	wrdreg s5  }
0xaa: {  	[dreg:$0x4] =	wrdreg $0xC0  }
0xab: {  	_ =	task [dreg:s7], $0x5FFFF  }
0xac: {  	[dreg:$0x1] =	wrdreg $0xFFFFFFFF  }
0xad: {  	[dreg:$0x0] =	wrdreg $0x60  }
0xae: {  	[dreg:$0x2] =	wrdreg s2  }
0xaf: {  	[dreg:$0x3] =	wrdreg s24  }
0xb0: {  	[dreg:$0x4] =	wrdreg $0x9  }
0xb1: {  	_ =	task.clear_ibuf [dreg:s7], $0x5FFFF;
	_ =	strace $0x90000046  }
0xb2: {  	s29 =	simm.s32 $0x9;
	_ =	strace $0x80000048  }
0xb3: {  	_ =	swait.ge [sflag:s29], $0x1  }
0xb4: {  	[sflag:s29] =	ssyncadd.s32 $0xFFFFFFFF  }
0xb5: {  	_ =	strace $0x90000048  }
0xb6: {  	_ =	sfence  }
0xb7: {  	s30 =	sld [smem:$0x0];
	_ =	sdelay $0x2  }
0xb8: {  	s31 =	sshll.u32 s1, $0xD;
	s1 =	sshrl.u32 s1, $0x2  }
0xb9: {  	s3 =	sand.u32 $0x4000, s31;
	s1 =	sadd.s32 s1, s30  }
0xba: {  	s0 =	sor.u32 s3, s0;
	s1 =	sshll.u32 s1, $0x11  }
0xbb: {  	s0 =	sor.u32 s1, s0  }
0xbc: {  	s0 =	sadd.s32 $0x8F2B, s0  }
0xbd: {  	[sflag:s0] =	ssyncadd.remote.s32 $0x1  }
0xbe: {  	_ =	sfence.sel $0xFFFF  }
0xbf: {  	[dreg:$0x0] =	wrdreg $0xFFFFFFFF;
	(pc) =	sbr.abs _section_cstart, $3  }
0xc0: {  	[dreg:$0x1] =	wrdreg $0xFFFFFFFF  }
0xc1: {  	_ =	task.clear_ibuf [dreg:s7], $0x2FFFF;
	_ =	strace $0x9FFFFFFF  }
0xc2: {  	(tm) =	ssettm $0x7FFFFFFF  }
0xc3: {  	_ =	shalt  }
tec
execute0_lowered:
.L_overlay_start_1:
0x0: {  	(tag) =	ssettag $0x1  }
0x1: {  	s1 =	stileid.u32  }
0x2: {  	p0 =	sgt.u32 s1, $0x7  }
.Ltmp0:
0x3: {  	_ = 	snop;
	(pc) =	sbr.rel @p0 .LBB2_4-.Ltmp0, $4  }
0x4: {  	s3 =	rddreg [dreg:$0x0]  }
0x5: {  	s5 =	rddreg [dreg:$0x1];
	s2 =	simm.s32 $0x0  }
0x6: {  	[smem:$0x7FF] =	sst s2  }
0x7: {  	s0 =	rddreg [dreg:$0x2];
	_ =	strace $0x80000047  }
0x8: {  	s4 =	srdreg.scid  }
0x9: {  	s30 =	sshll.u32 s1, $0x1;
	s6 =	sand.u32 $0x1, s4  }
0xa: {  	s7 =	sor.u32 s6, s30  }
0xb: {  	s4 =	smul.u32 $0x480, s7;
	_ =	sdelay $0x1  }
0xc: {  	s4 =	sadd.s32 s3, s4;
	s3 =	simm.s32 $0x1  }
0xd: {  	[tilespmem:s2], [sflag:$0x1] =	stream.linear.gather [hbm4b:s4+s2], $0x2080, $0x38;
	[tilespmem:$0x2480] =	vst v63  }
0xe: {  	_ =	swait.ge [sflag:s3], $0x2080  }
0xf: {  	[sflag:s3] =	ssyncset.done $0x0  }
0x10: {  	[sflag:s3] =	ssyncadd.s32 $0xFFFFDF80  }
0x11: {  	v0 =	vld [tilespmem:$0x0]  }
0x12: {  	v1 =	vld [tilespmem:$0x80];
	_ =	sdelay $0x2  }
0x13: {  	v2 =	vld [tilespmem:$0x100];
	_ =	sdelay $0x1  }
0x14: {  	v3 =	vld [tilespmem:$0x180];
	vm0 =	vgt.f32 v1, v0  }
0x15: {  	vm0 =	vmneg vm0  }
0x16: {  	v4 =	vld [tilespmem:$0x200];
	v0 =	vsel vm0, v0, v1  }
0x17: {  	vm1 =	vgt.f32 v2, v0  }
0x18: {  	v1 =	vld [tilespmem:$0x280];
	v0 =	vsel vm1, v2, v0  }
0x19: {  	vm2 =	vgt.f32 v3, v0  }
0x1a: {  	v2 =	vld [tilespmem:$0x300];
	v0 =	vsel vm2, v3, v0  }
0x1b: {  	vm3 =	vgt.f32 v4, v0  }
0x1c: {  	v3 =	vld [tilespmem:$0x380];
	v0 =	vsel vm3, v4, v0  }
0x1d: {  	vm4 =	vgt.f32 v1, v0  }
0x1e: {  	v13 =	vld [tilespmem:$0x400];
	v0 =	vsel vm4, v1, v0  }
0x1f: {  	vm5 =	vgt.f32 v2, v0  }
0x20: {  	v1 =	vld [tilespmem:$0x480];
	v0 =	vsel vm5, v2, v0  }
0x21: {  	vm6 =	vgt.f32 v3, v0  }
0x22: {  	v2 =	vld [tilespmem:$0x500];
	v0 =	vsel vm6, v3, v0  }
0x23: {  	vm7 =	vgt.f32 v13, v0  }
0x24: {  	v3 =	vld [tilespmem:$0x580];
	v0 =	vsel vm7, v13, v0  }
0x25: {  	vm8 =	vgt.f32 v1, v0  }
0x26: {  	v14 =	vld [tilespmem:$0x600];
	v0 =	vsel vm8, v1, v0  }
0x27: {  	vm9 =	vgt.f32 v2, v0  }
0x28: {  	v0 =	vsel vm9, v2, v0  }
0x29: {  	v1 =	vld [tilespmem:$0x680];
	vm10 =	vgt.f32 v3, v0  }
0x2a: {  	v0 =	vsel vm10, v3, v0  }
0x2b: {  	v2 =	vld [tilespmem:$0x700];
	v3 =	vimm.s32 $0x0;
	vm11 =	vgt.f32 v14, v0  }
0x2c: {  	v3 =	vsel vm11, $0xFFFFFFFF, v3  }
0x2d: {  	v0 =	vsel vm11, v14, v0;
	[tilespmem:$0x1FEA0] =	vst v3;
	v3 =	vld [tilespmem:$0x780]  }
0x2e: {  	vm11 =	vgt.f32 v1, v0  }
0x2f: {  	v15 =	vimm.s32 $0x0;
	v16 =	vld [tilespmem:$0x800];
	v0 =	vsel vm11, v1, v0  }
0x30: {  	v4 =	vsel vm11, $0xFFFFFFFF, v15;
	v1 =	vimm.s32 $0x0;
	vm11 =	vgt.f32 v2, v0  }
0x31: {  	v1 =	vsel vm11, $0xFFFFFFFF, v1;
	v0 =	vsel vm11, v2, v0  }
0x32: {  	v2 =	vimm.s32 $0x0;
	[tilespmem:$0x1FEC0] =	vst v1;
	v1 =	vld [tilespmem:$0x880];
	vm11 =	vgt.f32 v3, v0  }
0x33: {  	v2 =	vsel vm11, $0xFFFFFFFF, v2;
	v0 =	vsel vm11, v3, v0  }
0x34: {  	v3 =	vimm.s32 $0x0;
	[tilespmem:$0x1FED0] =	vst v2;
	v2 =	vld [tilespmem:$0x900];
	vm11 =	vgt.f32 v16, v0  }
0x35: {  	v3 =	vsel vm11, $0xFFFFFFFF, v3  }
0x36: {  	v0 =	vsel vm11, v16, v0;
	[tilespmem:$0x1FEE0] =	vst v3;
	v3 =	vld [tilespmem:$0x980]  }
0x37: {  	vm11 =	vgt.f32 v1, v0  }
0x38: {  	v17 =	vimm.s32 $0x0;
	v18 =	vld [tilespmem:$0xA00];
	v0 =	vsel vm11, v1, v0  }
0x39: {  	[tilespmem:$0x1FEB0] =	vst v4;
	v4 =	vsel vm11, $0xFFFFFFFF, v17;
	v1 =	vimm.s32 $0x0;
	vm11 =	vgt.f32 v2, v0  }
0x3a: {  	v1 =	vsel vm11, $0xFFFFFFFF, v1;
	v0 =	vsel vm11, v2, v0  }
0x3b: {  	v2 =	vimm.s32 $0x0;
	[tilespmem:$0x1FF00] =	vst v1;
	v1 =	vld [tilespmem:$0xA80];
	vm11 =	vgt.f32 v3, v0  }
0x3c: {  	v2 =	vsel vm11, $0xFFFFFFFF, v2;
	v0 =	vsel vm11, v3, v0  }
0x3d: {  	v3 =	vimm.s32 $0x0;
	[tilespmem:$0x1FF10] =	vst v2;
	v2 =	vld [tilespmem:$0xB00];
	vm11 =	vgt.f32 v18, v0  }
0x3e: {  	v3 =	vsel vm11, $0xFFFFFFFF, v3  }
0x3f: {  	v0 =	vsel vm11, v18, v0;
	[tilespmem:$0x1FF20] =	vst v3;
	v3 =	vld [tilespmem:$0xB80]  }
0x40: {  	vm11 =	vgt.f32 v1, v0  }
0x41: {  	v19 =	vimm.s32 $0x0;
	v20 =	vld [tilespmem:$0xC00];
	v0 =	vsel vm11, v1, v0  }
0x42: {  	[tilespmem:$0x1FEF0] =	vst v4;
	v4 =	vsel vm11, $0xFFFFFFFF, v19;
	v1 =	vimm.s32 $0x0;
	vm11 =	vgt.f32 v2, v0  }
0x43: {  	v1 =	vsel vm11, $0xFFFFFFFF, v1;
	v0 =	vsel vm11, v2, v0  }
0x44: {  	v2 =	vimm.s32 $0x0;
	[tilespmem:$0x1FF40] =	vst v1;
	v1 =	vld [tilespmem:$0xC80];
	vm11 =	vgt.f32 v3, v0  }
0x45: {  	v2 =	vsel vm11, $0xFFFFFFFF, v2;
	v0 =	vsel vm11, v3, v0  }
0x46: {  	v3 =	vimm.s32 $0x0;
	[tilespmem:$0x1FF50] =	vst v2;
	v2 =	vld [tilespmem:$0xD00];
	vm11 =	vgt.f32 v20, v0  }
0x47: {  	v3 =	vsel vm11, $0xFFFFFFFF, v3  }
0x48: {  	v0 =	vsel vm11, v20, v0;
	[tilespmem:$0x1FF60] =	vst v3;
	v3 =	vld [tilespmem:$0xD80]  }
0x49: {  	vm11 =	vgt.f32 v1, v0  }
0x4a: {  	v21 =	vimm.s32 $0x0;
	v22 =	vld [tilespmem:$0xE00];
	v0 =	vsel vm11, v1, v0  }
0x4b: {  	[tilespmem:$0x1FF30] =	vst v4;
	v4 =	vsel vm11, $0xFFFFFFFF, v21;
	v1 =	vimm.s32 $0x0;
	vm11 =	vgt.f32 v2, v0  }
0x4c: {  	v1 =	vsel vm11, $0xFFFFFFFF, v1;
	v0 =	vsel vm11, v2, v0  }
0x4d: {  	v2 =	vimm.s32 $0x0;
	[tilespmem:$0x1FF80] =	vst v1;
	v1 =	vld [tilespmem:$0xE80];
	vm11 =	vgt.f32 v3, v0  }
0x4e: {  	v2 =	vsel vm11, $0xFFFFFFFF, v2;
	v0 =	vsel vm11, v3, v0  }
0x4f: {  	v3 =	vimm.s32 $0x0;
	[tilespmem:$0x1FF90] =	vst v2;
	v2 =	vld [tilespmem:$0xF00];
	vm11 =	vgt.f32 v22, v0  }
0x50: {  	v3 =	vsel vm11, $0xFFFFFFFF, v3  }
0x51: {  	v0 =	vsel vm11, v22, v0;
	[tilespmem:$0x1FFA0] =	vst v3;
	v3 =	vld [tilespmem:$0xF80]  }
0x52: {  	vm11 =	vgt.f32 v1, v0  }
0x53: {  	v23 =	vimm.s32 $0x0;
	v24 =	vld [tilespmem:$0x1000];
	v0 =	vsel vm11, v1, v0  }
0x54: {  	[tilespmem:$0x1FF70] =	vst v4;
	v4 =	vsel vm11, $0xFFFFFFFF, v23;
	v1 =	vimm.s32 $0x0;
	vm11 =	vgt.f32 v2, v0  }
0x55: {  	v1 =	vsel vm11, $0xFFFFFFFF, v1;
	v0 =	vsel vm11, v2, v0  }
0x56: {  	v2 =	vimm.s32 $0x0;
	[tilespmem:$0x1FFC0] =	vst v1;
	v1 =	vld [tilespmem:$0x1080];
	vm11 =	vgt.f32 v3, v0  }
0x57: {  	v2 =	vsel vm11, $0xFFFFFFFF, v2;
	v3 =	vsel vm11, v3, v0  }
0x58: {  	v0 =	vimm.s32 $0x0;
	[tilespmem:$0x1FFD0] =	vst v2;
	v2 =	vld [tilespmem:$0x1100];
	vm11 =	vgt.f32 v24, v3  }
0x59: {  	v0 =	vsel vm11, $0xFFFFFFFF, v0  }
0x5a: {  	v5 =	vld [tilespmem:$0x1180];
	v3 =	vsel vm11, v24, v3;
	[tilespmem:$0x1FFE0] =	vst v0;
	v0 =	vimm.s32 $0x0  }
0x5b: {  	v25 =	vsel vm0, $0xFFFFFFFF, v0;
	vm15 =	vgt.f32 v1, v3  }
0x5c: {  	v26 =	vld [tilespmem:$0x1200];
	[tilespmem:$0x1FFB0] =	vst v4;
	v4 =	vsel vm1, $0x1, v25;
	v1 =	vsel vm15, v1, v3  }
0x5d: {  	v3 =	vsel vm2, $0x2, v4;
	vm14 =	vgt.f32 v2, v1  }
0x5e: {  	v27 =	vld [tilespmem:$0x1280];
	v3 =	vsel vm3, $0x3, v3;
	v1 =	vsel vm14, v2, v1  }
0x5f: {  	v2 =	vsel vm4, $0x4, v3;
	vm13 =	vgt.f32 v5, v1  }
0x60: {  	v3 =	vld [tilespmem:$0x1300];
	v2 =	vsel vm5, $0x5, v2;
	v1 =	vsel vm13, v5, v1  }
0x61: {  	v2 =	vsel vm6, $0x6, v2;
	vm12 =	vgt.f32 v26, v1  }
0x62: {  	v2 =	vsel vm7, $0x7, v2;
	v1 =	vsel vm12, v26, v1  }
0x63: {  	v2 =	vsel vm8, $0x8, v2;
	vm11 =	vgt.f32 v27, v1  }
0x64: {  	v2 =	vsel vm9, $0x9, v2;
	v1 =	vsel vm11, v27, v1  }
0x65: {  	v2 =	vsel vm10, $0xA, v2;
	vm10 =	vgt.f32 v3, v1  }
0x66: {  	v1 =	vsel vm10, v3, v1;
	v3 =	vld [tilespmem:$0x1FEB0]  }
0x67: {  	v28 =	vld [tilespmem:$0x1380]  }
0x68: {  	v29 =	vld [tilespmem:$0x1400]  }
0x69: {  	v30 =	vld [tilespmem:$0x1FEA0]  }
0x6a: {  	v31 =	vld [tilespmem:$0x1480]  }
0x6b: {  	vm7 =	vnez.u8 v3;
	v3 =	vld [tilespmem:$0x1FEC0]  }
0x6c: {  	v32 =	vld [tilespmem:$0x1FED0]  }
0x6d: {  	v33 =	vld [tilespmem:$0x1FEE0]  }
0x6e: {  	v6 =	vimm.s32 $0x0;
	v35 =	vld [tilespmem:$0x1FEF0];
	vm6 =	vnez.u8 v30  }
0x6f: {  	v36 =	vld [tilespmem:$0x1FF00];
	v6 =	vsel vm15, $0xFFFFFFFF, v6;
	v2 =	vsel vm6, $0xB, v2;
	vm9 =	vgt.f32 v28, v1  }
0x70: {  	v1 =	vsel vm9, v28, v1;
	v2 =	vsel vm7, $0xC, v2;
	vm8 =	vnez.u8 v3;
	v3 =	vld [tilespmem:$0x1500]  }
0x71: {  	vm15 =	vnez.u8 v32;
	v2 =	vsel vm8, $0xD, v2;
	vm8 =	vgt.f32 v29, v1  }
0x72: {  	vm4 =	vnez.u8 v33;
	v2 =	vsel vm15, $0xE, v2;
	v1 =	vsel vm8, v29, v1  }
0x73: {  	vm5 =	vnez.u8 v35;
	v2 =	vsel vm4, $0xF, v2;
	vm7 =	vgt.f32 v31, v1  }
0x74: {  	vm6 =	vnez.u8 v36;
	v2 =	vsel vm5, $0x10, v2;
	v1 =	vsel vm7, v31, v1  }
0x75: {  	v2 =	vsel vm6, $0x11, v2;
	vm6 =	vgt.f32 v3, v1  }
0x76: {  	v1 =	vsel vm6, v3, v1;
	v3 =	vld [tilespmem:$0x1FF30];
	_ =	sdelay $0x1  }
0x77: {  	v38 =	vld [tilespmem:$0x1FF10]  }
0x78: {  	v39 =	vld [tilespmem:$0x1FF20]  }
0x79: {  	v34 =	vld [tilespmem:$0x1580]  }
0x7a: {  	vm5 =	vnez.u8 v3;
	v3 =	vld [tilespmem:$0x1FF40]  }
0x7b: {  	v41 =	vld [tilespmem:$0x1FF50]  }
0x7c: {  	v37 =	vld [tilespmem:$0x1600];
	vm15 =	vnez.u8 v38  }
0x7d: {  	vm4 =	vnez.u8 v39;
	v2 =	vsel vm15, $0x12, v2  }
0x7e: {  	v40 =	vld [tilespmem:$0x1680];
	v2 =	vsel vm4, $0x13, v2  }
0x7f: {  	v2 =	vsel vm5, $0x14, v2;
	vm5 =	vgt.f32 v34, v1;
	vm15 =	vnez.u8 v3  }
0x80: {  	vm4 =	vnez.u8 v41;
	v1 =	vsel vm5, v34, v1;
	v3 =	vld [tilespmem:$0x1700];
	v2 =	vsel vm15, $0x15, v2  }
0x81: {  	v42 =	vld [tilespmem:$0x1FF60];
	v2 =	vsel vm4, $0x16, v2;
	vm4 =	vgt.f32 v37, v1  }
0x82: {  	v44 =	vld [tilespmem:$0x1FF70];
	v1 =	vsel vm4, v37, v1  }
0x83: {  	v45 =	vld [tilespmem:$0x1FF80];
	vm3 =	vgt.f32 v40, v1  }
0x84: {  	v47 =	vld [tilespmem:$0x1FF90];
	v1 =	vsel vm3, v40, v1  }
0x85: {  	v48 =	vld [tilespmem:$0x1FFA0];
	vm2 =	vgt.f32 v3, v1  }
0x86: {  	vm15 =	vnez.u8 v42;
	v1 =	vsel vm2, v3, v1;
	v3 =	vld [tilespmem:$0x1FFB0]  }
0x87: {  	v2 =	vsel vm15, $0x17, v2;
	vm15 =	vnez.u8 v44  }
0x88: {  	v2 =	vsel vm15, $0x18, v2;
	vm15 =	vnez.u8 v45  }
0x89: {  	v43 =	vld [tilespmem:$0x1780];
	v2 =	vsel vm15, $0x19, v2;
	vm15 =	vnez.u8 v47  }
0x8a: {  	v46 =	vld [tilespmem:$0x1800];
	v2 =	vsel vm15, $0x1A, v2;
	vm15 =	vnez.u8 v48  }
0x8b: {  	v2 =	vsel vm15, $0x1B, v2;
	vm15 =	vnez.u8 v3;
	v3 =	vld [tilespmem:$0x1FFC0]  }
0x8c: {  	v50 =	vld [tilespmem:$0x1FFD0]  }
0x8d: {  	v51 =	vld [tilespmem:$0x1FFE0];
	[tilespmem:$0x1FFF0] =	vst v6  }
0x8e: {  	v53 =	vld [tilespmem:$0x1FFF0]  }
0x8f: {  	v49 =	vld [tilespmem:$0x1880]  }
0x90: {  	vm1 =	vgt.f32 v43, v1;
	v2 =	vsel vm15, $0x1C, v2;
	vm15 =	vnez.u8 v3  }
0x91: {  	v1 =	vsel vm1, v43, v1;
	v3 =	vld [tilespmem:$0x1900];
	v2 =	vsel vm15, $0x1D, v2;
	vm15 =	vnez.u8 v50  }
0x92: {  	vm0 =	vgt.f32 v46, v1;
	v2 =	vsel vm15, $0x1E, v2;
	vm15 =	vnez.u8 v51  }
0x93: {  	v52 =	vld [tilespmem:$0x1980];
	v1 =	vsel vm0, v46, v1;
	v2 =	vsel vm15, $0x1F, v2;
	vm15 =	vnez.u8 v53  }
0x94: {  	v2 =	vsel vm15, $0x20, v2;
	vm15 =	vgt.f32 v49, v1  }
0x95: {  	v54 =	vld [tilespmem:$0x1A00];
	v2 =	vsel vm14, $0x21, v2;
	v1 =	vsel vm15, v49, v1  }
0x96: {  	v2 =	vsel vm13, $0x22, v2;
	vm13 =	vgt.f32 v3, v1  }
0x97: {  	v55 =	vld [tilespmem:$0x1A80];
	v2 =	vsel vm12, $0x23, v2;
	v1 =	vsel vm13, v3, v1  }
0x98: {  	v2 =	vsel vm11, $0x24, v2;
	vm11 =	vgt.f32 v52, v1  }
0x99: {  	v3 =	vld [tilespmem:$0x1B00];
	v2 =	vsel vm10, $0x25, v2;
	v1 =	vsel vm11, v52, v1  }
0x9a: {  	v2 =	vsel vm9, $0x26, v2;
	vm9 =	vgt.f32 v54, v1  }
0x9b: {  	v56 =	vld [tilespmem:$0x1B80];
	v2 =	vsel vm8, $0x27, v2;
	v1 =	vsel vm9, v54, v1  }
0x9c: {  	v2 =	vsel vm7, $0x28, v2;
	vm10 =	vgt.f32 v55, v1  }
0x9d: {  	v57 =	vld [tilespmem:$0x1C00];
	v2 =	vsel vm6, $0x29, v2;
	v1 =	vsel vm10, v55, v1  }
0x9e: {  	v2 =	vsel vm5, $0x2A, v2;
	vm5 =	vgt.f32 v3, v1  }
0x9f: {  	v58 =	vld [tilespmem:$0x1C80];
	v2 =	vsel vm4, $0x2B, v2;
	v1 =	vsel vm5, v3, v1  }
0xa0: {  	v2 =	vsel vm3, $0x2C, v2;
	vm12 =	vgt.f32 v56, v1  }
0xa1: {  	v3 =	vld [tilespmem:$0x1D00];
	v2 =	vsel vm2, $0x2D, v2;
	v1 =	vsel vm12, v56, v1  }
0xa2: {  	v2 =	vsel vm1, $0x2E, v2;
	vm14 =	vgt.f32 v57, v1  }
0xa3: {  	v59 =	vld [tilespmem:$0x1D80];
	v2 =	vsel vm0, $0x2F, v2;
	v1 =	vsel vm14, v57, v1  }
0xa4: {  	v2 =	vsel vm15, $0x30, v2;
	vm15 =	vgt.f32 v58, v1  }
0xa5: {  	v60 =	vld [tilespmem:$0x1E00];
	v2 =	vsel vm13, $0x31, v2;
	v1 =	vsel vm15, v58, v1  }
0xa6: {  	v2 =	vsel vm11, $0x32, v2;
	vm8 =	vgt.f32 v3, v1  }
0xa7: {  	v61 =	vld [tilespmem:$0x1E80];
	v2 =	vsel vm9, $0x33, v2;
	v1 =	vsel vm8, v3, v1  }
0xa8: {  	v2 =	vsel vm10, $0x34, v2;
	vm10 =	vgt.f32 v59, v1  }
0xa9: {  	v3 =	vld [tilespmem:$0x1F00];
	v2 =	vsel vm5, $0x35, v2;
	v1 =	vsel vm10, v59, v1  }
0xaa: {  	v2 =	vsel vm12, $0x36, v2;
	vm11 =	vgt.f32 v60, v1  }
0xab: {  	v62 =	vld [tilespmem:$0x1F80];
	v2 =	vsel vm14, $0x37, v2;
	v1 =	vsel vm11, v60, v1  }
0xac: {  	v2 =	vsel vm15, $0x38, v2;
	vm12 =	vgt.f32 v61, v1  }
0xad: {  	s6 =	ssub.s32 $0x2, s6;
	v63 =	vld [tilespmem:$0x2000];
	v2 =	vsel vm8, $0x39, v2;
	v1 =	vsel vm12, v61, v1  }
0xae: {  	s8 =	sshrl.u32 s6, $0x1;
	v2 =	vsel vm10, $0x3A, v2;
	vm13 =	vgt.f32 v3, v1  }
0xaf: {  	s6 =	ssub.s32 s6, s8;
	v2 =	vsel vm11, $0x3B, v2;
	v1 =	vsel vm13, v3, v1  }
0xb0: {  	s31 =	smax.u32 s6, $0x1;
	v2 =	vsel vm12, $0x3C, v2;
	vm14 =	vgt.f32 v62, v1  }
0xb1: {  	p0 =	sne.s32 s31, $0x1;
	v2 =	vsel vm13, $0x3D, v2;
	v1 =	vsel vm14, v62, v1  }
.Ltmp1:
0xb2: {  	s7 =	sshll.u32 s7, $0x1;
	v2 =	vsel vm14, $0x3E, v2;
	vm15 =	vgt.f32 v63, v1;
	(pc) =	sbr.rel @!p0 .LBB2_3-.Ltmp1, $4  }
0xb3: {  	s5 =	sadd.s32 s7, s5;
	v1 =	vsel vm15, $0x3F, v2  }
0xb4: {  	s5 =	sadd.s32 $0x2800, s5;
	s6 =	simm.s32 $0x2400;
	[tilespmem:$0x2400] =	vst v1  }
0xb5: {  	[hbm4b:s5+s2] =	stream.linear.scatter [tilespmem:s6], [sflag:$0x1], $0x10, $0x38;
	[tilespmem:$0x2480] =	vst v63  }
0xb6: {  	s7 =	sadd.s32 $0xFFFFFFFF, s31;
	_ =	swait.ge [sflag:s3], $0x10  }
.LBB2_2:
0xb7: {  	[sflag:s3] =	ssyncset.done $0x0  }
0xb8: {  	[sflag:s3] =	ssyncadd.s32 $0xFFFFFFF0  }
0xb9: {  	[tilespmem:s2], [sflag:$0x1] =	stream.linear.gather [hbm4b:s4+s2], $0x2080, $0x38;
	[tilespmem:$0x2480] =	vst v63  }
0xba: {  	_ =	swait.ge [sflag:s3], $0x2080  }
0xbb: {  	[sflag:s3] =	ssyncset.done $0x0  }
0xbc: {  	[sflag:s3] =	ssyncadd.s32 $0xFFFFDF80  }
0xbd: {  	v1 =	vld [tilespmem:$0x0]  }
0xbe: {  	v2 =	vld [tilespmem:$0x80];
	_ =	sdelay $0x2  }
0xbf: {  	v3 =	vld [tilespmem:$0x100];
	_ =	sdelay $0x1  }
0xc0: {  	v4 =	vld [tilespmem:$0x180];
	vm0 =	vgt.f32 v2, v1  }
0xc1: {  	vm0 =	vmneg vm0  }
0xc2: {  	v5 =	vld [tilespmem:$0x200];
	v1 =	vsel vm0, v1, v2  }
0xc3: {  	vm1 =	vgt.f32 v3, v1  }
0xc4: {  	v2 =	vld [tilespmem:$0x280];
	v1 =	vsel vm1, v3, v1  }
0xc5: {  	vm2 =	vgt.f32 v4, v1  }
0xc6: {  	v3 =	vld [tilespmem:$0x300];
	v1 =	vsel vm2, v4, v1  }
0xc7: {  	vm3 =	vgt.f32 v5, v1  }
0xc8: {  	v53 =	vld [tilespmem:$0x380];
	v1 =	vsel vm3, v5, v1  }
0xc9: {  	vm4 =	vgt.f32 v2, v1  }
0xca: {  	v54 =	vld [tilespmem:$0x400];
	v1 =	vsel vm4, v2, v1  }
0xcb: {  	vm5 =	vgt.f32 v3, v1  }
0xcc: {  	v2 =	vld [tilespmem:$0x480];
	v1 =	vsel vm5, v3, v1  }
0xcd: {  	vm6 =	vgt.f32 v53, v1  }
0xce: {  	v3 =	vld [tilespmem:$0x500];
	v1 =	vsel vm6, v53, v1  }
0xcf: {  	vm7 =	vgt.f32 v54, v1  }
0xd0: {  	v55 =	vld [tilespmem:$0x580];
	v1 =	vsel vm7, v54, v1  }
0xd1: {  	vm8 =	vgt.f32 v2, v1  }
0xd2: {  	v56 =	vld [tilespmem:$0x600];
	v1 =	vsel vm8, v2, v1  }
0xd3: {  	vm9 =	vgt.f32 v3, v1  }
0xd4: {  	v2 =	vld [tilespmem:$0x680];
	v1 =	vsel vm9, v3, v1  }
0xd5: {  	vm10 =	vgt.f32 v55, v1  }
0xd6: {  	v3 =	vld [tilespmem:$0x700];
	v1 =	vsel vm10, v55, v1  }
0xd7: {  	vm11 =	vgt.f32 v56, v1  }
0xd8: {  	v57 =	vimm.s32 $0x0;
	v58 =	vld [tilespmem:$0x780];
	v1 =	vsel vm11, v56, v1  }
0xd9: {  	v4 =	vsel vm11, $0xFFFFFFFF, v57;
	vm11 =	vgt.f32 v2, v1  }
0xda: {  	v59 =	vimm.s32 $0x0;
	v1 =	vsel vm11, v2, v1  }
0xdb: {  	v60 =	vld [tilespmem:$0x800];
	v5 =	vsel vm11, $0xFFFFFFFF, v59;
	v2 =	vimm.s32 $0x0;
	vm11 =	vgt.f32 v3, v1  }
0xdc: {  	v2 =	vsel vm11, $0xFFFFFFFF, v2;
	v1 =	vsel vm11, v3, v1  }
0xdd: {  	v3 =	vimm.s32 $0x0;
	[tilespmem:$0x1FD60] =	vst v2;
	v2 =	vld [tilespmem:$0x880];
	vm11 =	vgt.f32 v58, v1  }
0xde: {  	v3 =	vsel vm11, $0xFFFFFFFF, v3  }
0xdf: {  	v1 =	vsel vm11, v58, v1;
	[tilespmem:$0x1FD70] =	vst v3;
	v3 =	vld [tilespmem:$0x900]  }
0xe0: {  	vm11 =	vgt.f32 v60, v1  }
0xe1: {  	v61 =	vimm.s32 $0x0;
	v62 =	vld [tilespmem:$0x980];
	v1 =	vsel vm11, v60, v1  }
0xe2: {  	[tilespmem:$0x1FD40] =	vst v4;
	v4 =	vsel vm11, $0xFFFFFFFF, v61;
	vm11 =	vgt.f32 v2, v1  }
0xe3: {  	v63 =	vimm.s32 $0x0;
	v1 =	vsel vm11, v2, v1  }
0xe4: {  	v8 =	vld [tilespmem:$0xA00];
	[tilespmem:$0x1FD50] =	vst v5;
	v5 =	vsel vm11, $0xFFFFFFFF, v63;
	v2 =	vimm.s32 $0x0;
	vm11 =	vgt.f32 v3, v1  }
0xe5: {  	v2 =	vsel vm11, $0xFFFFFFFF, v2;
	v1 =	vsel vm11, v3, v1  }
0xe6: {  	v3 =	vimm.s32 $0x0;
	[tilespmem:$0x1FDA0] =	vst v2;
	v2 =	vld [tilespmem:$0xA80];
	vm11 =	vgt.f32 v62, v1  }
0xe7: {  	v3 =	vsel vm11, $0xFFFFFFFF, v3  }
0xe8: {  	v1 =	vsel vm11, v62, v1;
	[tilespmem:$0x1FDB0] =	vst v3;
	v3 =	vld [tilespmem:$0xB00]  }
0xe9: {  	vm11 =	vgt.f32 v8, v1  }
0xea: {  	v9 =	vimm.s32 $0x0;
	v10 =	vld [tilespmem:$0xB80];
	v1 =	vsel vm11, v8, v1  }
0xeb: {  	[tilespmem:$0x1FD80] =	vst v4;
	v4 =	vsel vm11, $0xFFFFFFFF, v9;
	vm11 =	vgt.f32 v2, v1  }
0xec: {  	v11 =	vimm.s32 $0x0;
	v1 =	vsel vm11, v2, v1  }
0xed: {  	v12 =	vld [tilespmem:$0xC00];
	[tilespmem:$0x1FD90] =	vst v5;
	v5 =	vsel vm11, $0xFFFFFFFF, v11;
	v2 =	vimm.s32 $0x0;
	vm11 =	vgt.f32 v3, v1  }
0xee: {  	v2 =	vsel vm11, $0xFFFFFFFF, v2;
	v1 =	vsel vm11, v3, v1  }
0xef: {  	v3 =	vimm.s32 $0x0;
	[tilespmem:$0x1FDE0] =	vst v2;
	v2 =	vld [tilespmem:$0xC80];
	vm11 =	vgt.f32 v10, v1  }
0xf0: {  	v3 =	vsel vm11, $0xFFFFFFFF, v3  }
0xf1: {  	v1 =	vsel vm11, v10, v1;
	[tilespmem:$0x1FDF0] =	vst v3;
	v3 =	vld [tilespmem:$0xD00]  }
0xf2: {  	vm11 =	vgt.f32 v12, v1  }
0xf3: {  	v13 =	vimm.s32 $0x0;
	v14 =	vld [tilespmem:$0xD80];
	v1 =	vsel vm11, v12, v1  }
0xf4: {  	[tilespmem:$0x1FDC0] =	vst v4;
	v4 =	vsel vm11, $0xFFFFFFFF, v13;
	vm11 =	vgt.f32 v2, v1  }
0xf5: {  	v15 =	vimm.s32 $0x0;
	v1 =	vsel vm11, v2, v1  }
0xf6: {  	v16 =	vld [tilespmem:$0xE00];
	[tilespmem:$0x1FDD0] =	vst v5;
	v5 =	vsel vm11, $0xFFFFFFFF, v15;
	v2 =	vimm.s32 $0x0;
	vm11 =	vgt.f32 v3, v1  }
0xf7: {  	v2 =	vsel vm11, $0xFFFFFFFF, v2;
	v1 =	vsel vm11, v3, v1  }
0xf8: {  	v3 =	vimm.s32 $0x0;
	[tilespmem:$0x1FE20] =	vst v2;
	v2 =	vld [tilespmem:$0xE80];
	vm11 =	vgt.f32 v14, v1  }
0xf9: {  	v3 =	vsel vm11, $0xFFFFFFFF, v3  }
0xfa: {  	v1 =	vsel vm11, v14, v1;
	[tilespmem:$0x1FE30] =	vst v3;
	v3 =	vld [tilespmem:$0xF00]  }
0xfb: {  	vm11 =	vgt.f32 v16, v1  }
0xfc: {  	v17 =	vimm.s32 $0x0;
	v18 =	vld [tilespmem:$0xF80];
	v1 =	vsel vm11, v16, v1  }
0xfd: {  	[tilespmem:$0x1FE00] =	vst v4;
	v4 =	vsel vm11, $0xFFFFFFFF, v17;
	vm11 =	vgt.f32 v2, v1  }
0xfe: {  	v19 =	vimm.s32 $0x0;
	v1 =	vsel vm11, v2, v1  }
0xff: {  	v20 =	vld [tilespmem:$0x1000];
	[tilespmem:$0x1FE10] =	vst v5;
	v5 =	vsel vm11, $0xFFFFFFFF, v19;
	v2 =	vimm.s32 $0x0;
	vm11 =	vgt.f32 v3, v1  }
0x100: {  	v2 =	vsel vm11, $0xFFFFFFFF, v2;
	v1 =	vsel vm11, v3, v1  }
0x101: {  	v3 =	vimm.s32 $0x0;
	[tilespmem:$0x1FE60] =	vst v2;
	v2 =	vld [tilespmem:$0x1080];
	vm11 =	vgt.f32 v18, v1  }
0x102: {  	v3 =	vsel vm11, $0xFFFFFFFF, v3  }
0x103: {  	v1 =	vsel vm11, v18, v1;
	[tilespmem:$0x1FE70] =	vst v3;
	v3 =	vld [tilespmem:$0x1100]  }
0x104: {  	vm11 =	vgt.f32 v20, v1  }
0x105: {  	v22 =	vld [tilespmem:$0x1180];
	v1 =	vsel vm11, v20, v1  }
0x106: {  	v23 =	vsel vm0, $0xFFFFFFFF, v0;
	vm15 =	vgt.f32 v2, v1  }
0x107: {  	v24 =	vld [tilespmem:$0x1200];
	[tilespmem:$0x1FE50] =	vst v5;
	v5 =	vsel vm1, $0x1, v23;
	v1 =	vsel vm15, v2, v1  }
0x108: {  	v2 =	vsel vm2, $0x2, v5;
	vm14 =	vgt.f32 v3, v1  }
0x109: {  	v25 =	vld [tilespmem:$0x1280];
	v2 =	vsel vm3, $0x3, v2;
	v1 =	vsel vm14, v3, v1  }
0x10a: {  	v2 =	vsel vm4, $0x4, v2;
	vm13 =	vgt.f32 v22, v1  }
0x10b: {  	v3 =	vld [tilespmem:$0x1300];
	v2 =	vsel vm5, $0x5, v2;
	v1 =	vsel vm13, v22, v1  }
0x10c: {  	v2 =	vsel vm6, $0x6, v2;
	vm12 =	vgt.f32 v24, v1  }
0x10d: {  	v21 =	vimm.s32 $0x0;
	v26 =	vld [tilespmem:$0x1380];
	v2 =	vsel vm7, $0x7, v2;
	v1 =	vsel vm12, v24, v1  }
0x10e: {  	v27 =	vld [tilespmem:$0x1400];
	[tilespmem:$0x1FE40] =	vst v4;
	v4 =	vsel vm11, $0xFFFFFFFF, v21;
	v2 =	vsel vm8, $0x8, v2;
	vm11 =	vgt.f32 v25, v1  }
0x10f: {  	v28 =	vld [tilespmem:$0x1480];
	v2 =	vsel vm9, $0x9, v2;
	v1 =	vsel vm11, v25, v1  }
0x110: {  	v7 =	vld [tilespmem:$0x1FD40];
	v2 =	vsel vm10, $0xA, v2;
	vm10 =	vgt.f32 v3, v1  }
0x111: {  	v1 =	vsel vm10, v3, v1;
	v3 =	vld [tilespmem:$0x1FD50]  }
0x112: {  	v29 =	vld [tilespmem:$0x1FD60]  }
0x113: {  	v30 =	vld [tilespmem:$0x1FD70]  }
0x114: {  	v6 =	vimm.s32 $0x0;
	v32 =	vld [tilespmem:$0x1FD80]  }
0x115: {  	v33 =	vld [tilespmem:$0x1FD90];
	v6 =	vsel vm15, $0xFFFFFFFF, v6;
	vm6 =	vnez.u8 v7  }
0x116: {  	v35 =	vld [tilespmem:$0x1FDA0];
	v2 =	vsel vm6, $0xB, v2;
	vm9 =	vgt.f32 v26, v1;
	vm7 =	vnez.u8 v3  }
0x117: {  	vm8 =	vnez.u8 v29;
	v1 =	vsel vm9, v26, v1;
	v3 =	vld [tilespmem:$0x1500];
	v2 =	vsel vm7, $0xC, v2  }
0x118: {  	vm15 =	vnez.u8 v30;
	v2 =	vsel vm8, $0xD, v2;
	vm8 =	vgt.f32 v27, v1  }
0x119: {  	vm4 =	vnez.u8 v32;
	v2 =	vsel vm15, $0xE, v2;
	v1 =	vsel vm8, v27, v1  }
0x11a: {  	v31 =	vld [tilespmem:$0x1580];
	vm5 =	vnez.u8 v33;
	v2 =	vsel vm4, $0xF, v2;
	vm7 =	vgt.f32 v28, v1  }
0x11b: {  	v36 =	vld [tilespmem:$0x1FDB0];
	vm6 =	vnez.u8 v35;
	v2 =	vsel vm5, $0x10, v2;
	v1 =	vsel vm7, v28, v1  }
0x11c: {  	v38 =	vld [tilespmem:$0x1FDC0];
	v2 =	vsel vm6, $0x11, v2;
	vm6 =	vgt.f32 v3, v1  }
0x11d: {  	v1 =	vsel vm6, v3, v1;
	v3 =	vld [tilespmem:$0x1FDD0]  }
0x11e: {  	v39 =	vld [tilespmem:$0x1FDE0]  }
0x11f: {  	v40 =	vld [tilespmem:$0x1FDF0]  }
0x120: {  	v34 =	vld [tilespmem:$0x1600];
	vm15 =	vnez.u8 v36  }
0x121: {  	v37 =	vld [tilespmem:$0x1680];
	vm4 =	vnez.u8 v38;
	v2 =	vsel vm15, $0x12, v2  }
0x122: {  	v41 =	vld [tilespmem:$0x1780];
	v2 =	vsel vm4, $0x13, v2;
	vm5 =	vnez.u8 v3  }
0x123: {  	v44 =	vld [tilespmem:$0x1800];
	vm15 =	vnez.u8 v39;
	v2 =	vsel vm5, $0x14, v2;
	vm5 =	vgt.f32 v31, v1  }
0x124: {  	vm4 =	vnez.u8 v40;
	v3 =	vld [tilespmem:$0x1700];
	v2 =	vsel vm15, $0x15, v2;
	v1 =	vsel vm5, v31, v1  }
0x125: {  	v42 =	vld [tilespmem:$0x1FE00];
	v2 =	vsel vm4, $0x16, v2;
	vm4 =	vgt.f32 v34, v1  }
0x126: {  	v43 =	vld [tilespmem:$0x1FE10];
	v1 =	vsel vm4, v34, v1  }
0x127: {  	v45 =	vld [tilespmem:$0x1FE20];
	vm3 =	vgt.f32 v37, v1  }
0x128: {  	v46 =	vld [tilespmem:$0x1FE30];
	v1 =	vsel vm3, v37, v1  }
0x129: {  	v48 =	vld [tilespmem:$0x1FE40];
	vm2 =	vgt.f32 v3, v1  }
0x12a: {  	vm15 =	vnez.u8 v42;
	v1 =	vsel vm2, v3, v1;
	v3 =	vld [tilespmem:$0x1FE50]  }
0x12b: {  	v49 =	vld [tilespmem:$0x1FE60];
	v2 =	vsel vm15, $0x17, v2;
	vm15 =	vnez.u8 v43  }
0x12c: {  	v50 =	vld [tilespmem:$0x1FE70];
	[tilespmem:$0x1FE80] =	vst v4;
	v2 =	vsel vm15, $0x18, v2;
	vm15 =	vnez.u8 v45  }
0x12d: {  	v52 =	vld [tilespmem:$0x1FE80];
	[tilespmem:$0x1FE90] =	vst v6;
	v2 =	vsel vm15, $0x19, v2;
	vm15 =	vnez.u8 v46  }
0x12e: {  	v53 =	vld [tilespmem:$0x1FE90];
	v2 =	vsel vm15, $0x1A, v2;
	vm15 =	vnez.u8 v48  }
0x12f: {  	v47 =	vld [tilespmem:$0x1880];
	v2 =	vsel vm15, $0x1B, v2;
	vm15 =	vnez.u8 v3  }
0x130: {  	vm1 =	vgt.f32 v41, v1;
	v2 =	vsel vm15, $0x1C, v2;
	vm15 =	vnez.u8 v49  }
0x131: {  	v1 =	vsel vm1, v41, v1;
	v3 =	vld [tilespmem:$0x1900];
	v2 =	vsel vm15, $0x1D, v2;
	vm15 =	vnez.u8 v50  }
0x132: {  	vm0 =	vgt.f32 v44, v1;
	v2 =	vsel vm15, $0x1E, v2;
	vm15 =	vnez.u8 v52  }
0x133: {  	v51 =	vld [tilespmem:$0x1980];
	v1 =	vsel vm0, v44, v1;
	v2 =	vsel vm15, $0x1F, v2;
	vm15 =	vnez.u8 v53  }
0x134: {  	v2 =	vsel vm15, $0x20, v2;
	vm15 =	vgt.f32 v47, v1  }
0x135: {  	v54 =	vld [tilespmem:$0x1A00];
	v2 =	vsel vm14, $0x21, v2;
	v1 =	vsel vm15, v47, v1  }
0x136: {  	v2 =	vsel vm13, $0x22, v2;
	vm13 =	vgt.f32 v3, v1  }
0x137: {  	v55 =	vld [tilespmem:$0x1A80];
	v2 =	vsel vm12, $0x23, v2;
	v1 =	vsel vm13, v3, v1  }
0x138: {  	v2 =	vsel vm11, $0x24, v2;
	vm11 =	vgt.f32 v51, v1  }
0x139: {  	v3 =	vld [tilespmem:$0x1B00];
	v2 =	vsel vm10, $0x25, v2;
	v1 =	vsel vm11, v51, v1  }
0x13a: {  	v2 =	vsel vm9, $0x26, v2;
	vm9 =	vgt.f32 v54, v1  }
0x13b: {  	v56 =	vld [tilespmem:$0x1B80];
	v2 =	vsel vm8, $0x27, v2;
	v1 =	vsel vm9, v54, v1  }
0x13c: {  	v2 =	vsel vm7, $0x28, v2;
	vm10 =	vgt.f32 v55, v1  }
0x13d: {  	v57 =	vld [tilespmem:$0x1C00];
	v2 =	vsel vm6, $0x29, v2;
	v1 =	vsel vm10, v55, v1  }
0x13e: {  	v2 =	vsel vm5, $0x2A, v2;
	vm5 =	vgt.f32 v3, v1  }
0x13f: {  	v58 =	vld [tilespmem:$0x1C80];
	v2 =	vsel vm4, $0x2B, v2;
	v1 =	vsel vm5, v3, v1  }
0x140: {  	v2 =	vsel vm3, $0x2C, v2;
	vm12 =	vgt.f32 v56, v1  }
0x141: {  	v3 =	vld [tilespmem:$0x1D00];
	v2 =	vsel vm2, $0x2D, v2;
	v1 =	vsel vm12, v56, v1  }
0x142: {  	v2 =	vsel vm1, $0x2E, v2;
	vm14 =	vgt.f32 v57, v1  }
0x143: {  	v59 =	vld [tilespmem:$0x1D80];
	v2 =	vsel vm0, $0x2F, v2;
	v1 =	vsel vm14, v57, v1  }
0x144: {  	v2 =	vsel vm15, $0x30, v2;
	vm15 =	vgt.f32 v58, v1  }
0x145: {  	v60 =	vld [tilespmem:$0x1E00];
	v2 =	vsel vm13, $0x31, v2;
	v1 =	vsel vm15, v58, v1  }
0x146: {  	v2 =	vsel vm11, $0x32, v2;
	vm8 =	vgt.f32 v3, v1  }
0x147: {  	v61 =	vld [tilespmem:$0x1E80];
	v2 =	vsel vm9, $0x33, v2;
	v1 =	vsel vm8, v3, v1  }
0x148: {  	v2 =	vsel vm10, $0x34, v2;
	vm10 =	vgt.f32 v59, v1  }
0x149: {  	v3 =	vld [tilespmem:$0x1F00];
	v2 =	vsel vm5, $0x35, v2;
	v1 =	vsel vm10, v59, v1  }
0x14a: {  	v2 =	vsel vm12, $0x36, v2;
	vm11 =	vgt.f32 v60, v1  }
0x14b: {  	v62 =	vld [tilespmem:$0x1F80];
	v2 =	vsel vm14, $0x37, v2;
	v1 =	vsel vm11, v60, v1  }
0x14c: {  	v2 =	vsel vm15, $0x38, v2;
	vm12 =	vgt.f32 v61, v1  }
0x14d: {  	v63 =	vld [tilespmem:$0x2000];
	v2 =	vsel vm8, $0x39, v2;
	v1 =	vsel vm12, v61, v1  }
0x14e: {  	v2 =	vsel vm10, $0x3A, v2;
	vm13 =	vgt.f32 v3, v1  }
0x14f: {  	v2 =	vsel vm11, $0x3B, v2;
	v1 =	vsel vm13, v3, v1  }
0x150: {  	v2 =	vsel vm12, $0x3C, v2;
	vm14 =	vgt.f32 v62, v1  }
0x151: {  	p0 =	sne.s32 s7, $0x1;
	v2 =	vsel vm13, $0x3D, v2;
	v1 =	vsel vm14, v62, v1  }
.Ltmp2:
0x152: {  	v2 =	vsel vm14, $0x3E, v2;
	vm15 =	vgt.f32 v63, v1;
	(pc) =	sbr.rel @p0 .LBB2_2-.Ltmp2, $4  }
0x153: {  	v1 =	vsel vm15, $0x3F, v2  }
0x154: {  	[tilespmem:$0x2400] =	vst v1  }
0x155: {  	[hbm4b:s5+s2] =	stream.linear.scatter [tilespmem:s6], [sflag:$0x1], $0x10, $0x38;
	[tilespmem:$0x2480] =	vst v63  }
0x156: {  	s7 =	sadd.s32 $0xFFFFFFFF, s7;
	_ =	swait.ge [sflag:s3], $0x10  }
.LBB2_3:
0x157: {  	[sflag:s3] =	ssyncset.done $0x0  }
0x158: {  	[sflag:s3] =	ssyncadd.s32 $0xFFFFFFF0  }
.LBB2_4:
0x159: {  	_ =	sfence.sel $0x180000  }
0x15a: {  	[bflag:$0x0] =	sbarrier.arrive $0xFFFF  }
0x15b: {  	p0 =	sne.s32 s1, $0x0;
	_ =	strace $0x90000047  }
0x15c: {  	s0 =	sadd.s32 @!p0 $0x100000, s0;
	[bflag:$0x2] =	sbarrier.arrive $0xFFFF  }
0x15d: {  	[sflag:s0] =	ssyncadd.tile.s32 @!p0 $0x1;
	_ =	shalt  }
.Lfunc_end2:
_tile_overlayer_lowered:
.L_overlay_start_2:
0x15e: {  	(tag) =	ssettag $0x2  }
0x15f: {  	s0 =	rddreg [dreg:$0x0];
	s2 =	stileid.u32  }
0x160: {  	s1 =	rddreg [dreg:$0x1];
	p0 =	sne.s32 s2, $0x0  }
0x161: {  	s3 =	rddreg [dreg:$0x2];
	[bflag:$0x3] =	sbarrier.arrive $0xFFFF;
	s2 =	simm.s32 @!p0 $0x1C01  }
0x162: {  	[timem:s3], [sflag:s2] =	dma.local @!p0 [hbm:s0], s1  }
0x163: {  	s0 =	simm.s32 @!p0 $0x1  }
0x164: {  	_ =	swait.ge @!p0 [sflag:s0], s1  }
0x165: {  	s1 =	ssub.s32 @!p0 $0x0, s1;
	[sflag:s0] =	ssyncset.done @!p0 $0x0  }
0x166: {  	[sflag:s0] =	ssyncadd.s32 @!p0 s1  }
0x167: {  	[bflag:$0x3] =	sbarrier.arrive $0xFFFF  }
0x168: {  	_ =	shalt  }

</sc_bundles>
